<compile_context>
chip_gen: v7x
topology: tpu7x:2x2x1
jax: 0.10.2.dev20260603
libtpu: 0.0.44.dev20260713+nightly
codegen_flags: <defaults>
</compile_context>

<pallas_src>
import jax
import jax.numpy as jnp
from jax import lax
from jax.experimental import pallas as pl
from jax.experimental.pallas import tpu as pltpu
from jax.experimental.pallas import tpu_sc as plsc

_B = 16384
_F = 26
_V = 1000000
_D = 13

_INFO = plsc.get_sparse_core_info()
_NC = _INFO.num_cores
_NS = _INFO.num_subcores
_NW = _NC * _NS
_L = 16

_ROWS = _B // _NW
_NGATH = _ROWS * _F
_GCH = 128
_NG = _NGATH // _GCH
_RING = 8


def _body(idx_hbm, dense_hbm, wb_hbm, table_hbm, out_hbm,
          idx_v, dense_v, wb_v, flat_v, gath_v, acc_v, sem):
    c = lax.axis_index("c")
    s = lax.axis_index("s")
    wid = s * _NC + c
    base = wid * _ROWS

    pltpu.sync_copy(idx_hbm.at[pl.ds(base * _F, _ROWS * _F)], idx_v)
    pltpu.sync_copy(dense_hbm.at[pl.ds(base * _D, _ROWS * _D)], dense_v)
    pltpu.sync_copy(wb_hbm, wb_v)

    iota = lax.iota(jnp.int32, _L)
    iota_f = iota * _F
    nj = _ROWS // _L

    @pl.loop(0, _F)
    def _flat(f):
        off = f * _V
        for j in range(nj):
            pos = iota_f + (j * _L * _F + f)
            vals = plsc.load_gather(idx_v, [pos])
            flat_v[pl.ds(f * _ROWS + j * _L, _L)] = vals + off

    pltpu.async_copy(table_hbm.at[flat_v], gath_v, sem).wait()

    ws = [plsc.load_gather(wb_v, [jnp.full((_L,), k, jnp.int32)])
          for k in range(_F + _D + 1)]
    iota_d = iota * _D

    @pl.loop(0, nj)
    def _acc(j):
        acc = ws[_F + _D]
        for d in range(_D):
            dv = plsc.load_gather(dense_v, [iota_d + (j * _L * _D + d)])
            acc = acc + dv * ws[_F + d]
        for f in range(_F):
            gv = gath_v[pl.ds(f * _ROWS + j * _L, _L)]
            acc = acc + gv * ws[f]
        acc_v[pl.ds(j * _L, _L)] = acc

    pltpu.sync_copy(acc_v, out_hbm.at[pl.ds(base, _ROWS)])


@jax.jit
def _run(sparse_idx_flat, dense_flat, table_flat, wb):
    mesh = plsc.VectorSubcoreMesh(core_axis_name="c", subcore_axis_name="s")
    return pl.kernel(
        _body,
        out_type=jax.ShapeDtypeStruct((_B,), jnp.float32),
        mesh=mesh,
        compiler_params=pltpu.CompilerParams(needs_layout_passes=False),
        scratch_types=[
            pltpu.VMEM((_ROWS * _F,), jnp.int32),
            pltpu.VMEM((_ROWS * _D,), jnp.float32),
            pltpu.VMEM((_F + _D + 1,), jnp.float32),
            pltpu.VMEM((_NGATH,), jnp.int32),
            pltpu.VMEM((_NGATH,), jnp.float32),
            pltpu.VMEM((_ROWS,), jnp.float32),
            pltpu.SemaphoreType.DMA,
        ],
    )(sparse_idx_flat, dense_flat, wb, table_flat)


def kernel(sparse_idx, dense, emb_tables, fc_w, fc_b):
    table_flat = (emb_tables.astype(jnp.bfloat16)
                  .reshape(_F * _V).astype(jnp.float32))
    wb = jnp.concatenate([fc_w[:, 0], fc_b])
    out = _run(sparse_idx.reshape(_B * _F), dense.reshape(_B * _D),
               table_flat, wb)
    return out.reshape(_B, 1)

# --- scband reference (transcript-rebuilt; emitter-appended) ---
"""Pipeline reference for scband-weed-7421703487653 (READ-ONLY COPY).

The authoritative reference and input builder live on the scoring server;
editing this copy changes nothing except your own understanding.
"""

import jax, jax.numpy as jnp
import numpy as np

B = 16384
F = 26
V = 1000000
D = 13


def setup_inputs(seed: int = 0) -> dict:
    key = jax.random.key(seed)
    k1, k2, k3, k4 = jax.random.split(key, 4)
    sparse_idx = jax.random.randint(k1, (B, F), 0, V, dtype=jnp.int32)
    dense = jax.random.normal(k2, (B, D), dtype=jnp.float32)
    emb_tables = jax.random.normal(k3, (F, V, 1), dtype=jnp.float32) * 0.01
    fc_w = jax.random.normal(k4, (F + D, 1), dtype=jnp.float32) * 0.05
    fc_b = jnp.zeros((1,), dtype=jnp.float32)
    return {
        'sparse_idx': sparse_idx,
        'dense': dense,
        'emb_tables': emb_tables,
        'fc_w': fc_w,
        'fc_b': fc_b,
    }


def reference(sparse_idx, dense, emb_tables, fc_w, fc_b):
    # EmbeddingLayer: one embedding table per sparse field, embedding_dim=1.
    # Gather: emb_tables[f][sparse_idx[:, f]] for each field f -> [B, F, 1]
    f_ids = jnp.arange(emb_tables.shape[0])
    sparse_emb = emb_tables[f_ids[None, :], sparse_idx]  # [B, F, 1]
    # torch.stack(..., dim=1).flatten(start_dim=1) -> [B, F*1]
    sparse_flat = sparse_emb.reshape(sparse_emb.shape[0], -1)
    # get_linear_input: concat dense features -> [B, D]
    dnn_input = jnp.concatenate([sparse_flat, dense], axis=1)  # [B, F + D]
    out = dnn_input @ fc_w + fc_b  # [B, 1]
    return out

if __name__ == "__main__":
    import jax
    _d = setup_inputs()
    print(jax.jit(kernel)(*tuple(_d.values())))

</pallas_src>

<mosaic_0001>
#map = affine_map<(d0, d1) -> (0)>
module attributes {stable_mosaic.version = 14 : i64} {
  func.func @_body(%arg0: i32, %arg1: i32, %arg2: memref<425984xi32, #tpu.memory_space<hbm>>, %arg3: memref<212992xf32, #tpu.memory_space<hbm>>, %arg4: memref<40xf32, #tpu.memory_space<hbm>>, %arg5: memref<26000000xf32, #tpu.memory_space<hbm>>, %arg6: memref<16384xf32, #tpu.memory_space<hbm>>, %arg7: memref<13312xi32, #tpu.memory_space<vmem>>, %arg8: memref<6656xf32, #tpu.memory_space<vmem>>, %arg9: memref<40xf32, #tpu.memory_space<vmem>>, %arg10: memref<13312xi32, #tpu.memory_space<vmem>>, %arg11: memref<13312xf32, #tpu.memory_space<vmem>>, %arg12: memref<512xf32, #tpu.memory_space<vmem>>, %arg13: memref<!tpu.dma_semaphore, #tpu.memory_space<semaphore_mem>>) attributes {dimension_semantics = [#tpu.dimension_semantics<core_parallel>, #tpu.dimension_semantics<subcore_parallel>], iteration_bounds = array<i64: 2, 16>, scalar_prefetch = 0 : i64, scratch_operands = 7 : i64, tpu.core_type = #tpu.core_type<sc_vector_subcore>, window_params = [{transform_indices = #map}, {transform_indices = #map}, {transform_indices = #map}, {transform_indices = #map}, {transform_indices = #map}]} {
    %mul3A = arith.constant 2 : i32
    %mul3A_0 = arith.muli %arg1, %mul3A : i32
    %add3A = arith.addi %mul3A_0, %arg0 : i32
    %mul3A_1 = arith.constant 512 : i32
    %mul3A_2 = arith.muli %add3A, %mul3A_1 : i32
    %mul3A_3 = arith.constant 26 : i32
    %mul3A_4 = arith.muli %mul3A_2, %mul3A_3 : i32
    "tpu.region"() ({
      %run_scoped3A = tpu.sem_alloc : memref<!tpu.dma_semaphore, #tpu.memory_space<semaphore_mem>>
      %dma_start3A_142 = tpu.memref_slice %arg2[%mul3A_4] : memref<425984xi32, #tpu.memory_space<hbm>> -> memref<13312xi32, #tpu.memory_space<hbm>>
      %dma_start3A_143 = tpu.memref_slice %arg2[%mul3A_4] : memref<425984xi32, #tpu.memory_space<hbm>> -> memref<13312xi32, #tpu.memory_space<hbm>>
      tpu.enqueue_dma source(%dma_start3A_143 : memref<13312xi32, #tpu.memory_space<hbm>>) target(%arg7 : memref<13312xi32, #tpu.memory_space<vmem>>) target_semaphore(%run_scoped3A : memref<!tpu.dma_semaphore, #tpu.memory_space<semaphore_mem>>)
      %dma_wait3A_144 = tpu.memref_slice %arg2[%mul3A_4] : memref<425984xi32, #tpu.memory_space<hbm>> -> memref<13312xi32, #tpu.memory_space<hbm>>
      %dma_wait3A_145 = tpu.memref_slice %arg2[%mul3A_4] : memref<425984xi32, #tpu.memory_space<hbm>> -> memref<13312xi32, #tpu.memory_space<hbm>>
      tpu.wait_dma2 semaphore(%run_scoped3A : memref<!tpu.dma_semaphore, #tpu.memory_space<semaphore_mem>>) src(%dma_wait3A_145 : memref<13312xi32, #tpu.memory_space<hbm>>) dst(%arg7 : memref<13312xi32, #tpu.memory_space<vmem>>)
      tpu.yield
    }) : () -> ()
    %mul3A_5 = arith.constant 13 : i32
    %mul3A_6 = arith.muli %mul3A_2, %mul3A_5 : i32
    "tpu.region"() ({
      %run_scoped3A = tpu.sem_alloc : memref<!tpu.dma_semaphore, #tpu.memory_space<semaphore_mem>>
      %dma_start3A_142 = tpu.memref_slice %arg3[%mul3A_6] : memref<212992xf32, #tpu.memory_space<hbm>> -> memref<6656xf32, #tpu.memory_space<hbm>>
      %dma_start3A_143 = tpu.memref_slice %arg3[%mul3A_6] : memref<212992xf32, #tpu.memory_space<hbm>> -> memref<6656xf32, #tpu.memory_space<hbm>>
      tpu.enqueue_dma source(%dma_start3A_143 : memref<6656xf32, #tpu.memory_space<hbm>>) target(%arg8 : memref<6656xf32, #tpu.memory_space<vmem>>) target_semaphore(%run_scoped3A : memref<!tpu.dma_semaphore, #tpu.memory_space<semaphore_mem>>)
      %dma_wait3A_144 = tpu.memref_slice %arg3[%mul3A_6] : memref<212992xf32, #tpu.memory_space<hbm>> -> memref<6656xf32, #tpu.memory_space<hbm>>
      %dma_wait3A_145 = tpu.memref_slice %arg3[%mul3A_6] : memref<212992xf32, #tpu.memory_space<hbm>> -> memref<6656xf32, #tpu.memory_space<hbm>>
      tpu.wait_dma2 semaphore(%run_scoped3A : memref<!tpu.dma_semaphore, #tpu.memory_space<semaphore_mem>>) src(%dma_wait3A_145 : memref<6656xf32, #tpu.memory_space<hbm>>) dst(%arg8 : memref<6656xf32, #tpu.memory_space<vmem>>)
      tpu.yield
    }) : () -> ()
    "tpu.region"() ({
      %run_scoped3A = tpu.sem_alloc : memref<!tpu.dma_semaphore, #tpu.memory_space<semaphore_mem>>
      tpu.enqueue_dma source(%arg4 : memref<40xf32, #tpu.memory_space<hbm>>) target(%arg9 : memref<40xf32, #tpu.memory_space<vmem>>) target_semaphore(%run_scoped3A : memref<!tpu.dma_semaphore, #tpu.memory_space<semaphore_mem>>)
      tpu.wait_dma2 semaphore(%run_scoped3A : memref<!tpu.dma_semaphore, #tpu.memory_space<semaphore_mem>>) src(%arg4 : memref<40xf32, #tpu.memory_space<hbm>>) dst(%arg9 : memref<40xf32, #tpu.memory_space<vmem>>)
      tpu.yield
    }) : () -> ()
    %iota3A = tpu.iota {dimensions = array<i32: 0>} : vector<16xi32>
    %mul3A_7 = arith.constant 26 : i32
    %mul3A_8 = vector.broadcast %mul3A_7 : i32 to vector<16xi32>
    %mul3A_9 = arith.muli %iota3A, %mul3A_8 : vector<16xi32>
    %scan3A = arith.constant 0 : i32
    %scan3A_10 = arith.constant 26 : i32
    %scan3A_11 = arith.addi %scan3A, %scan3A_10 : i32
    %scan3A_12 = arith.constant 1 : i32
    scf.for %scan3A_142 = %scan3A to %scan3A_11 step %scan3A_12  : i32 {
      %mul3A_143 = arith.constant 1 : i32
      %mul3A_144 = arith.muli %scan3A_142, %mul3A_143 : i32
      %add3A_145 = arith.constant 0 : i32
      %add3A_146 = arith.addi %add3A_145, %mul3A_144 : i32
      %mul3A_147 = arith.constant 1000000 : i32
      %mul3A_148 = arith.muli %add3A_146, %mul3A_147 : i32
      %add3A_149 = arith.constant 0 : i32
      %add3A_150 = arith.addi %add3A_149, %add3A_146 : i32
      %add3A_151 = vector.broadcast %add3A_150 : i32 to vector<16xi32>
      %add3A_152 = arith.addi %mul3A_9, %add3A_151 : vector<16xi32>
      %gather3A_153 = tpu.vector_load_idx %arg7[%add3A_152] : memref<13312xi32, #tpu.memory_space<vmem>>[vector<16xi32>], vector<16xi32>,
      %add3A_154 = vector.broadcast %mul3A_148 : i32 to vector<16xi32>
      %add3A_155 = arith.addi %gather3A_153, %add3A_154 : vector<16xi32>
      %mul3A_156 = arith.constant 512 : i32
      %mul3A_157 = arith.muli %add3A_146, %mul3A_156 : i32
      %add3A_158 = arith.constant 0 : i32
      %add3A_159 = arith.addi %mul3A_157, %add3A_158 : i32
      %swap3A = arith.index_cast %add3A_159 : i32 to index
      %swap3A_160 = tpu.vector_load %arg10[%swap3A] {strides = array<i32>} : memref<13312xi32, #tpu.memory_space<vmem>>, vector<16xi32>,
      tpu.vector_store %arg10[%swap3A], %add3A_155 {strides = array<i32>} : memref<13312xi32, #tpu.memory_space<vmem>>, vector<16xi32>,
      %add3A_161 = arith.constant 416 : i32
      %add3A_162 = arith.addi %add3A_161, %add3A_146 : i32
      %add3A_163 = vector.broadcast %add3A_162 : i32 to vector<16xi32>
      %add3A_164 = arith.addi %mul3A_9, %add3A_163 : vector<16xi32>
      %gather3A_165 = tpu.vector_load_idx %arg7[%add3A_164] : memref<13312xi32, #tpu.memory_space<vmem>>[vector<16xi32>], vector<16xi32>,
      %add3A_166 = vector.broadcast %mul3A_148 : i32 to vector<16xi32>
      %add3A_167 = arith.addi %gather3A_165, %add3A_166 : vector<16xi32>
      %mul3A_168 = arith.constant 512 : i32
      %mul3A_169 = arith.muli %add3A_146, %mul3A_168 : i32
      %add3A_170 = arith.constant 16 : i32
      %add3A_171 = arith.addi %mul3A_169, %add3A_170 : i32
      %swap3A_172 = arith.index_cast %add3A_171 : i32 to index
      %swap3A_173 = tpu.vector_load %arg10[%swap3A_172] {strides = array<i32>} : memref<13312xi32, #tpu.memory_space<vmem>>, vector<16xi32>,
      tpu.vector_store %arg10[%swap3A_172], %add3A_167 {strides = array<i32>} : memref<13312xi32, #tpu.memory_space<vmem>>, vector<16xi32>,
      %add3A_174 = arith.constant 832 : i32
      %add3A_175 = arith.addi %add3A_174, %add3A_146 : i32
      %add3A_176 = vector.broadcast %add3A_175 : i32 to vector<16xi32>
      %add3A_177 = arith.addi %mul3A_9, %add3A_176 : vector<16xi32>
      %gather3A_178 = tpu.vector_load_idx %arg7[%add3A_177] : memref<13312xi32, #tpu.memory_space<vmem>>[vector<16xi32>], vector<16xi32>,
      %add3A_179 = vector.broadcast %mul3A_148 : i32 to vector<16xi32>
      %add3A_180 = arith.addi %gather3A_178, %add3A_179 : vector<16xi32>
      %mul3A_181 = arith.constant 512 : i32
      %mul3A_182 = arith.muli %add3A_146, %mul3A_181 : i32
      %add3A_183 = arith.constant 32 : i32
      %add3A_184 = arith.addi %mul3A_182, %add3A_183 : i32
      %swap3A_185 = arith.index_cast %add3A_184 : i32 to index
      %swap3A_186 = tpu.vector_load %arg10[%swap3A_185] {strides = array<i32>} : memref<13312xi32, #tpu.memory_space<vmem>>, vector<16xi32>,
      tpu.vector_store %arg10[%swap3A_185], %add3A_180 {strides = array<i32>} : memref<13312xi32, #tpu.memory_space<vmem>>, vector<16xi32>,
      %add3A_187 = arith.constant 1248 : i32
      %add3A_188 = arith.addi %add3A_187, %add3A_146 : i32
      %add3A_189 = vector.broadcast %add3A_188 : i32 to vector<16xi32>
      %add3A_190 = arith.addi %mul3A_9, %add3A_189 : vector<16xi32>
      %gather3A_191 = tpu.vector_load_idx %arg7[%add3A_190] : memref<13312xi32, #tpu.memory_space<vmem>>[vector<16xi32>], vector<16xi32>,
      %add3A_192 = vector.broadcast %mul3A_148 : i32 to vector<16xi32>
      %add3A_193 = arith.addi %gather3A_191, %add3A_192 : vector<16xi32>
      %mul3A_194 = arith.constant 512 : i32
      %mul3A_195 = arith.muli %add3A_146, %mul3A_194 : i32
      %add3A_196 = arith.constant 48 : i32
      %add3A_197 = arith.addi %mul3A_195, %add3A_196 : i32
      %swap3A_198 = arith.index_cast %add3A_197 : i32 to index
      %swap3A_199 = tpu.vector_load %arg10[%swap3A_198] {strides = array<i32>} : memref<13312xi32, #tpu.memory_space<vmem>>, vector<16xi32>,
      tpu.vector_store %arg10[%swap3A_198], %add3A_193 {strides = array<i32>} : memref<13312xi32, #tpu.memory_space<vmem>>, vector<16xi32>,
      %add3A_200 = arith.constant 1664 : i32
      %add3A_201 = arith.addi %add3A_200, %add3A_146 : i32
      %add3A_202 = vector.broadcast %add3A_201 : i32 to vector<16xi32>
      %add3A_203 = arith.addi %mul3A_9, %add3A_202 : vector<16xi32>
      %gather3A_204 = tpu.vector_load_idx %arg7[%add3A_203] : memref<13312xi32, #tpu.memory_space<vmem>>[vector<16xi32>], vector<16xi32>,
      %add3A_205 = vector.broadcast %mul3A_148 : i32 to vector<16xi32>
      %add3A_206 = arith.addi %gather3A_204, %add3A_205 : vector<16xi32>
      %mul3A_207 = arith.constant 512 : i32
      %mul3A_208 = arith.muli %add3A_146, %mul3A_207 : i32
      %add3A_209 = arith.constant 64 : i32
      %add3A_210 = arith.addi %mul3A_208, %add3A_209 : i32
      %swap3A_211 = arith.index_cast %add3A_210 : i32 to index
      %swap3A_212 = tpu.vector_load %arg10[%swap3A_211] {strides = array<i32>} : memref<13312xi32, #tpu.memory_space<vmem>>, vector<16xi32>,
      tpu.vector_store %arg10[%swap3A_211], %add3A_206 {strides = array<i32>} : memref<13312xi32, #tpu.memory_space<vmem>>, vector<16xi32>,
      %add3A_213 = arith.constant 2080 : i32
      %add3A_214 = arith.addi %add3A_213, %add3A_146 : i32
      %add3A_215 = vector.broadcast %add3A_214 : i32 to vector<16xi32>
      %add3A_216 = arith.addi %mul3A_9, %add3A_215 : vector<16xi32>
      %gather3A_217 = tpu.vector_load_idx %arg7[%add3A_216] : memref<13312xi32, #tpu.memory_space<vmem>>[vector<16xi32>], vector<16xi32>,
      %add3A_218 = vector.broadcast %mul3A_148 : i32 to vector<16xi32>
      %add3A_219 = arith.addi %gather3A_217, %add3A_218 : vector<16xi32>
      %mul3A_220 = arith.constant 512 : i32
      %mul3A_221 = arith.muli %add3A_146, %mul3A_220 : i32
      %add3A_222 = arith.constant 80 : i32
      %add3A_223 = arith.addi %mul3A_221, %add3A_222 : i32
      %swap3A_224 = arith.index_cast %add3A_223 : i32 to index
      %swap3A_225 = tpu.vector_load %arg10[%swap3A_224] {strides = array<i32>} : memref<13312xi32, #tpu.memory_space<vmem>>, vector<16xi32>,
      tpu.vector_store %arg10[%swap3A_224], %add3A_219 {strides = array<i32>} : memref<13312xi32, #tpu.memory_space<vmem>>, vector<16xi32>,
      %add3A_226 = arith.constant 2496 : i32
      %add3A_227 = arith.addi %add3A_226, %add3A_146 : i32
      %add3A_228 = vector.broadcast %add3A_227 : i32 to vector<16xi32>
      %add3A_229 = arith.addi %mul3A_9, %add3A_228 : vector<16xi32>
      %gather3A_230 = tpu.vector_load_idx %arg7[%add3A_229] : memref<13312xi32, #tpu.memory_space<vmem>>[vector<16xi32>], vector<16xi32>,
      %add3A_231 = vector.broadcast %mul3A_148 : i32 to vector<16xi32>
      %add3A_232 = arith.addi %gather3A_230, %add3A_231 : vector<16xi32>
      %mul3A_233 = arith.constant 512 : i32
      %mul3A_234 = arith.muli %add3A_146, %mul3A_233 : i32
      %add3A_235 = arith.constant 96 : i32
      %add3A_236 = arith.addi %mul3A_234, %add3A_235 : i32
      %swap3A_237 = arith.index_cast %add3A_236 : i32 to index
      %swap3A_238 = tpu.vector_load %arg10[%swap3A_237] {strides = array<i32>} : memref<13312xi32, #tpu.memory_space<vmem>>, vector<16xi32>,
      tpu.vector_store %arg10[%swap3A_237], %add3A_232 {strides = array<i32>} : memref<13312xi32, #tpu.memory_space<vmem>>, vector<16xi32>,
      %add3A_239 = arith.constant 2912 : i32
      %add3A_240 = arith.addi %add3A_239, %add3A_146 : i32
      %add3A_241 = vector.broadcast %add3A_240 : i32 to vector<16xi32>
      %add3A_242 = arith.addi %mul3A_9, %add3A_241 : vector<16xi32>
      %gather3A_243 = tpu.vector_load_idx %arg7[%add3A_242] : memref<13312xi32, #tpu.memory_space<vmem>>[vector<16xi32>], vector<16xi32>,
      %add3A_244 = vector.broadcast %mul3A_148 : i32 to vector<16xi32>
      %add3A_245 = arith.addi %gather3A_243, %add3A_244 : vector<16xi32>
      %mul3A_246 = arith.constant 512 : i32
      %mul3A_247 = arith.muli %add3A_146, %mul3A_246 : i32
      %add3A_248 = arith.constant 112 : i32
      %add3A_249 = arith.addi %mul3A_247, %add3A_248 : i32
      %swap3A_250 = arith.index_cast %add3A_249 : i32 to index
      %swap3A_251 = tpu.vector_load %arg10[%swap3A_250] {strides = array<i32>} : memref<13312xi32, #tpu.memory_space<vmem>>, vector<16xi32>,
      tpu.vector_store %arg10[%swap3A_250], %add3A_245 {strides = array<i32>} : memref<13312xi32, #tpu.memory_space<vmem>>, vector<16xi32>,
      %add3A_252 = arith.constant 3328 : i32
      %add3A_253 = arith.addi %add3A_252, %add3A_146 : i32
      %add3A_254 = vector.broadcast %add3A_253 : i32 to vector<16xi32>
      %add3A_255 = arith.addi %mul3A_9, %add3A_254 : vector<16xi32>
      %gather3A_256 = tpu.vector_load_idx %arg7[%add3A_255] : memref<13312xi32, #tpu.memory_space<vmem>>[vector<16xi32>], vector<16xi32>,
      %add3A_257 = vector.broadcast %mul3A_148 : i32 to vector<16xi32>
      %add3A_258 = arith.addi %gather3A_256, %add3A_257 : vector<16xi32>
      %mul3A_259 = arith.constant 512 : i32
      %mul3A_260 = arith.muli %add3A_146, %mul3A_259 : i32
      %add3A_261 = arith.constant 128 : i32
      %add3A_262 = arith.addi %mul3A_260, %add3A_261 : i32
      %swap3A_263 = arith.index_cast %add3A_262 : i32 to index
      %swap3A_264 = tpu.vector_load %arg10[%swap3A_263] {strides = array<i32>} : memref<13312xi32, #tpu.memory_space<vmem>>, vector<16xi32>,
      tpu.vector_store %arg10[%swap3A_263], %add3A_258 {strides = array<i32>} : memref<13312xi32, #tpu.memory_space<vmem>>, vector<16xi32>,
      %add3A_265 = arith.constant 3744 : i32
      %add3A_266 = arith.addi %add3A_265, %add3A_146 : i32
      %add3A_267 = vector.broadcast %add3A_266 : i32 to vector<16xi32>
      %add3A_268 = arith.addi %mul3A_9, %add3A_267 : vector<16xi32>
      %gather3A_269 = tpu.vector_load_idx %arg7[%add3A_268] : memref<13312xi32, #tpu.memory_space<vmem>>[vector<16xi32>], vector<16xi32>,
      %add3A_270 = vector.broadcast %mul3A_148 : i32 to vector<16xi32>
      %add3A_271 = arith.addi %gather3A_269, %add3A_270 : vector<16xi32>
      %mul3A_272 = arith.constant 512 : i32
      %mul3A_273 = arith.muli %add3A_146, %mul3A_272 : i32
      %add3A_274 = arith.constant 144 : i32
      %add3A_275 = arith.addi %mul3A_273, %add3A_274 : i32
      %swap3A_276 = arith.index_cast %add3A_275 : i32 to index
      %swap3A_277 = tpu.vector_load %arg10[%swap3A_276] {strides = array<i32>} : memref<13312xi32, #tpu.memory_space<vmem>>, vector<16xi32>,
      tpu.vector_store %arg10[%swap3A_276], %add3A_271 {strides = array<i32>} : memref<13312xi32, #tpu.memory_space<vmem>>, vector<16xi32>,
      %add3A_278 = arith.constant 4160 : i32
      %add3A_279 = arith.addi %add3A_278, %add3A_146 : i32
      %add3A_280 = vector.broadcast %add3A_279 : i32 to vector<16xi32>
      %add3A_281 = arith.addi %mul3A_9, %add3A_280 : vector<16xi32>
      %gather3A_282 = tpu.vector_load_idx %arg7[%add3A_281] : memref<13312xi32, #tpu.memory_space<vmem>>[vector<16xi32>], vector<16xi32>,
      %add3A_283 = vector.broadcast %mul3A_148 : i32 to vector<16xi32>
      %add3A_284 = arith.addi %gather3A_282, %add3A_283 : vector<16xi32>
      %mul3A_285 = arith.constant 512 : i32
      %mul3A_286 = arith.muli %add3A_146, %mul3A_285 : i32
      %add3A_287 = arith.constant 160 : i32
      %add3A_288 = arith.addi %mul3A_286, %add3A_287 : i32
      %swap3A_289 = arith.index_cast %add3A_288 : i32 to index
      %swap3A_290 = tpu.vector_load %arg10[%swap3A_289] {strides = array<i32>} : memref<13312xi32, #tpu.memory_space<vmem>>, vector<16xi32>,
      tpu.vector_store %arg10[%swap3A_289], %add3A_284 {strides = array<i32>} : memref<13312xi32, #tpu.memory_space<vmem>>, vector<16xi32>,
      %add3A_291 = arith.constant 4576 : i32
      %add3A_292 = arith.addi %add3A_291, %add3A_146 : i32
      %add3A_293 = vector.broadcast %add3A_292 : i32 to vector<16xi32>
      %add3A_294 = arith.addi %mul3A_9, %add3A_293 : vector<16xi32>
      %gather3A_295 = tpu.vector_load_idx %arg7[%add3A_294] : memref<13312xi32, #tpu.memory_space<vmem>>[vector<16xi32>], vector<16xi32>,
      %add3A_296 = vector.broadcast %mul3A_148 : i32 to vector<16xi32>
      %add3A_297 = arith.addi %gather3A_295, %add3A_296 : vector<16xi32>
      %mul3A_298 = arith.constant 512 : i32
      %mul3A_299 = arith.muli %add3A_146, %mul3A_298 : i32
      %add3A_300 = arith.constant 176 : i32
      %add3A_301 = arith.addi %mul3A_299, %add3A_300 : i32
      %swap3A_302 = arith.index_cast %add3A_301 : i32 to index
      %swap3A_303 = tpu.vector_load %arg10[%swap3A_302] {strides = array<i32>} : memref<13312xi32, #tpu.memory_space<vmem>>, vector<16xi32>,
      tpu.vector_store %arg10[%swap3A_302], %add3A_297 {strides = array<i32>} : memref<13312xi32, #tpu.memory_space<vmem>>, vector<16xi32>,
      %add3A_304 = arith.constant 4992 : i32
      %add3A_305 = arith.addi %add3A_304, %add3A_146 : i32
      %add3A_306 = vector.broadcast %add3A_305 : i32 to vector<16xi32>
      %add3A_307 = arith.addi %mul3A_9, %add3A_306 : vector<16xi32>
      %gather3A_308 = tpu.vector_load_idx %arg7[%add3A_307] : memref<13312xi32, #tpu.memory_space<vmem>>[vector<16xi32>], vector<16xi32>,
      %add3A_309 = vector.broadcast %mul3A_148 : i32 to vector<16xi32>
      %add3A_310 = arith.addi %gather3A_308, %add3A_309 : vector<16xi32>
      %mul3A_311 = arith.constant 512 : i32
      %mul3A_312 = arith.muli %add3A_146, %mul3A_311 : i32
      %add3A_313 = arith.constant 192 : i32
      %add3A_314 = arith.addi %mul3A_312, %add3A_313 : i32
      %swap3A_315 = arith.index_cast %add3A_314 : i32 to index
      %swap3A_316 = tpu.vector_load %arg10[%swap3A_315] {strides = array<i32>} : memref<13312xi32, #tpu.memory_space<vmem>>, vector<16xi32>,
      tpu.vector_store %arg10[%swap3A_315], %add3A_310 {strides = array<i32>} : memref<13312xi32, #tpu.memory_space<vmem>>, vector<16xi32>,
      %add3A_317 = arith.constant 5408 : i32
      %add3A_318 = arith.addi %add3A_317, %add3A_146 : i32
      %add3A_319 = vector.broadcast %add3A_318 : i32 to vector<16xi32>
      %add3A_320 = arith.addi %mul3A_9, %add3A_319 : vector<16xi32>
      %gather3A_321 = tpu.vector_load_idx %arg7[%add3A_320] : memref<13312xi32, #tpu.memory_space<vmem>>[vector<16xi32>], vector<16xi32>,
      %add3A_322 = vector.broadcast %mul3A_148 : i32 to vector<16xi32>
      %add3A_323 = arith.addi %gather3A_321, %add3A_322 : vector<16xi32>
      %mul3A_324 = arith.constant 512 : i32
      %mul3A_325 = arith.muli %add3A_146, %mul3A_324 : i32
      %add3A_326 = arith.constant 208 : i32
      %add3A_327 = arith.addi %mul3A_325, %add3A_326 : i32
      %swap3A_328 = arith.index_cast %add3A_327 : i32 to index
      %swap3A_329 = tpu.vector_load %arg10[%swap3A_328] {strides = array<i32>} : memref<13312xi32, #tpu.memory_space<vmem>>, vector<16xi32>,
      tpu.vector_store %arg10[%swap3A_328], %add3A_323 {strides = array<i32>} : memref<13312xi32, #tpu.memory_space<vmem>>, vector<16xi32>,
      %add3A_330 = arith.constant 5824 : i32
      %add3A_331 = arith.addi %add3A_330, %add3A_146 : i32
      %add3A_332 = vector.broadcast %add3A_331 : i32 to vector<16xi32>
      %add3A_333 = arith.addi %mul3A_9, %add3A_332 : vector<16xi32>
      %gather3A_334 = tpu.vector_load_idx %arg7[%add3A_333] : memref<13312xi32, #tpu.memory_space<vmem>>[vector<16xi32>], vector<16xi32>,
      %add3A_335 = vector.broadcast %mul3A_148 : i32 to vector<16xi32>
      %add3A_336 = arith.addi %gather3A_334, %add3A_335 : vector<16xi32>
      %mul3A_337 = arith.constant 512 : i32
      %mul3A_338 = arith.muli %add3A_146, %mul3A_337 : i32
      %add3A_339 = arith.constant 224 : i32
      %add3A_340 = arith.addi %mul3A_338, %add3A_339 : i32
      %swap3A_341 = arith.index_cast %add3A_340 : i32 to index
      %swap3A_342 = tpu.vector_load %arg10[%swap3A_341] {strides = array<i32>} : memref<13312xi32, #tpu.memory_space<vmem>>, vector<16xi32>,
      tpu.vector_store %arg10[%swap3A_341], %add3A_336 {strides = array<i32>} : memref<13312xi32, #tpu.memory_space<vmem>>, vector<16xi32>,
      %add3A_343 = arith.constant 6240 : i32
      %add3A_344 = arith.addi %add3A_343, %add3A_146 : i32
      %add3A_345 = vector.broadcast %add3A_344 : i32 to vector<16xi32>
      %add3A_346 = arith.addi %mul3A_9, %add3A_345 : vector<16xi32>
      %gather3A_347 = tpu.vector_load_idx %arg7[%add3A_346] : memref<13312xi32, #tpu.memory_space<vmem>>[vector<16xi32>], vector<16xi32>,
      %add3A_348 = vector.broadcast %mul3A_148 : i32 to vector<16xi32>
      %add3A_349 = arith.addi %gather3A_347, %add3A_348 : vector<16xi32>
      %mul3A_350 = arith.constant 512 : i32
      %mul3A_351 = arith.muli %add3A_146, %mul3A_350 : i32
      %add3A_352 = arith.constant 240 : i32
      %add3A_353 = arith.addi %mul3A_351, %add3A_352 : i32
      %swap3A_354 = arith.index_cast %add3A_353 : i32 to index
      %swap3A_355 = tpu.vector_load %arg10[%swap3A_354] {strides = array<i32>} : memref<13312xi32, #tpu.memory_space<vmem>>, vector<16xi32>,
      tpu.vector_store %arg10[%swap3A_354], %add3A_349 {strides = array<i32>} : memref<13312xi32, #tpu.memory_space<vmem>>, vector<16xi32>,
      %add3A_356 = arith.constant 6656 : i32
      %add3A_357 = arith.addi %add3A_356, %add3A_146 : i32
      %add3A_358 = vector.broadcast %add3A_357 : i32 to vector<16xi32>
      %add3A_359 = arith.addi %mul3A_9, %add3A_358 : vector<16xi32>
      %gather3A_360 = tpu.vector_load_idx %arg7[%add3A_359] : memref<13312xi32, #tpu.memory_space<vmem>>[vector<16xi32>], vector<16xi32>,
      %add3A_361 = vector.broadcast %mul3A_148 : i32 to vector<16xi32>
      %add3A_362 = arith.addi %gather3A_360, %add3A_361 : vector<16xi32>
      %mul3A_363 = arith.constant 512 : i32
      %mul3A_364 = arith.muli %add3A_146, %mul3A_363 : i32
      %add3A_365 = arith.constant 256 : i32
      %add3A_366 = arith.addi %mul3A_364, %add3A_365 : i32
      %swap3A_367 = arith.index_cast %add3A_366 : i32 to index
      %swap3A_368 = tpu.vector_load %arg10[%swap3A_367] {strides = array<i32>} : memref<13312xi32, #tpu.memory_space<vmem>>, vector<16xi32>,
      tpu.vector_store %arg10[%swap3A_367], %add3A_362 {strides = array<i32>} : memref<13312xi32, #tpu.memory_space<vmem>>, vector<16xi32>,
      %add3A_369 = arith.constant 7072 : i32
      %add3A_370 = arith.addi %add3A_369, %add3A_146 : i32
      %add3A_371 = vector.broadcast %add3A_370 : i32 to vector<16xi32>
      %add3A_372 = arith.addi %mul3A_9, %add3A_371 : vector<16xi32>
      %gather3A_373 = tpu.vector_load_idx %arg7[%add3A_372] : memref<13312xi32, #tpu.memory_space<vmem>>[vector<16xi32>], vector<16xi32>,
      %add3A_374 = vector.broadcast %mul3A_148 : i32 to vector<16xi32>
      %add3A_375 = arith.addi %gather3A_373, %add3A_374 : vector<16xi32>
      %mul3A_376 = arith.constant 512 : i32
      %mul3A_377 = arith.muli %add3A_146, %mul3A_376 : i32
      %add3A_378 = arith.constant 272 : i32
      %add3A_379 = arith.addi %mul3A_377, %add3A_378 : i32
      %swap3A_380 = arith.index_cast %add3A_379 : i32 to index
      %swap3A_381 = tpu.vector_load %arg10[%swap3A_380] {strides = array<i32>} : memref<13312xi32, #tpu.memory_space<vmem>>, vector<16xi32>,
      tpu.vector_store %arg10[%swap3A_380], %add3A_375 {strides = array<i32>} : memref<13312xi32, #tpu.memory_space<vmem>>, vector<16xi32>,
      %add3A_382 = arith.constant 7488 : i32
      %add3A_383 = arith.addi %add3A_382, %add3A_146 : i32
      %add3A_384 = vector.broadcast %add3A_383 : i32 to vector<16xi32>
      %add3A_385 = arith.addi %mul3A_9, %add3A_384 : vector<16xi32>
      %gather3A_386 = tpu.vector_load_idx %arg7[%add3A_385] : memref<13312xi32, #tpu.memory_space<vmem>>[vector<16xi32>], vector<16xi32>,
      %add3A_387 = vector.broadcast %mul3A_148 : i32 to vector<16xi32>
      %add3A_388 = arith.addi %gather3A_386, %add3A_387 : vector<16xi32>
      %mul3A_389 = arith.constant 512 : i32
      %mul3A_390 = arith.muli %add3A_146, %mul3A_389 : i32
      %add3A_391 = arith.constant 288 : i32
      %add3A_392 = arith.addi %mul3A_390, %add3A_391 : i32
      %swap3A_393 = arith.index_cast %add3A_392 : i32 to index
      %swap3A_394 = tpu.vector_load %arg10[%swap3A_393] {strides = array<i32>} : memref<13312xi32, #tpu.memory_space<vmem>>, vector<16xi32>,
      tpu.vector_store %arg10[%swap3A_393], %add3A_388 {strides = array<i32>} : memref<13312xi32, #tpu.memory_space<vmem>>, vector<16xi32>,
      %add3A_395 = arith.constant 7904 : i32
      %add3A_396 = arith.addi %add3A_395, %add3A_146 : i32
      %add3A_397 = vector.broadcast %add3A_396 : i32 to vector<16xi32>
      %add3A_398 = arith.addi %mul3A_9, %add3A_397 : vector<16xi32>
      %gather3A_399 = tpu.vector_load_idx %arg7[%add3A_398] : memref<13312xi32, #tpu.memory_space<vmem>>[vector<16xi32>], vector<16xi32>,
      %add3A_400 = vector.broadcast %mul3A_148 : i32 to vector<16xi32>
      %add3A_401 = arith.addi %gather3A_399, %add3A_400 : vector<16xi32>
      %mul3A_402 = arith.constant 512 : i32
      %mul3A_403 = arith.muli %add3A_146, %mul3A_402 : i32
      %add3A_404 = arith.constant 304 : i32
      %add3A_405 = arith.addi %mul3A_403, %add3A_404 : i32
      %swap3A_406 = arith.index_cast %add3A_405 : i32 to index
      %swap3A_407 = tpu.vector_load %arg10[%swap3A_406] {strides = array<i32>} : memref<13312xi32, #tpu.memory_space<vmem>>, vector<16xi32>,
      tpu.vector_store %arg10[%swap3A_406], %add3A_401 {strides = array<i32>} : memref<13312xi32, #tpu.memory_space<vmem>>, vector<16xi32>,
      %add3A_408 = arith.constant 8320 : i32
      %add3A_409 = arith.addi %add3A_408, %add3A_146 : i32
      %add3A_410 = vector.broadcast %add3A_409 : i32 to vector<16xi32>
      %add3A_411 = arith.addi %mul3A_9, %add3A_410 : vector<16xi32>
      %gather3A_412 = tpu.vector_load_idx %arg7[%add3A_411] : memref<13312xi32, #tpu.memory_space<vmem>>[vector<16xi32>], vector<16xi32>,
      %add3A_413 = vector.broadcast %mul3A_148 : i32 to vector<16xi32>
      %add3A_414 = arith.addi %gather3A_412, %add3A_413 : vector<16xi32>
      %mul3A_415 = arith.constant 512 : i32
      %mul3A_416 = arith.muli %add3A_146, %mul3A_415 : i32
      %add3A_417 = arith.constant 320 : i32
      %add3A_418 = arith.addi %mul3A_416, %add3A_417 : i32
      %swap3A_419 = arith.index_cast %add3A_418 : i32 to index
      %swap3A_420 = tpu.vector_load %arg10[%swap3A_419] {strides = array<i32>} : memref<13312xi32, #tpu.memory_space<vmem>>, vector<16xi32>,
      tpu.vector_store %arg10[%swap3A_419], %add3A_414 {strides = array<i32>} : memref<13312xi32, #tpu.memory_space<vmem>>, vector<16xi32>,
      %add3A_421 = arith.constant 8736 : i32
      %add3A_422 = arith.addi %add3A_421, %add3A_146 : i32
      %add3A_423 = vector.broadcast %add3A_422 : i32 to vector<16xi32>
      %add3A_424 = arith.addi %mul3A_9, %add3A_423 : vector<16xi32>
      %gather3A_425 = tpu.vector_load_idx %arg7[%add3A_424] : memref<13312xi32, #tpu.memory_space<vmem>>[vector<16xi32>], vector<16xi32>,
      %add3A_426 = vector.broadcast %mul3A_148 : i32 to vector<16xi32>
      %add3A_427 = arith.addi %gather3A_425, %add3A_426 : vector<16xi32>
      %mul3A_428 = arith.constant 512 : i32
      %mul3A_429 = arith.muli %add3A_146, %mul3A_428 : i32
      %add3A_430 = arith.constant 336 : i32
      %add3A_431 = arith.addi %mul3A_429, %add3A_430 : i32
      %swap3A_432 = arith.index_cast %add3A_431 : i32 to index
      %swap3A_433 = tpu.vector_load %arg10[%swap3A_432] {strides = array<i32>} : memref<13312xi32, #tpu.memory_space<vmem>>, vector<16xi32>,
      tpu.vector_store %arg10[%swap3A_432], %add3A_427 {strides = array<i32>} : memref<13312xi32, #tpu.memory_space<vmem>>, vector<16xi32>,
      %add3A_434 = arith.constant 9152 : i32
      %add3A_435 = arith.addi %add3A_434, %add3A_146 : i32
      %add3A_436 = vector.broadcast %add3A_435 : i32 to vector<16xi32>
      %add3A_437 = arith.addi %mul3A_9, %add3A_436 : vector<16xi32>
      %gather3A_438 = tpu.vector_load_idx %arg7[%add3A_437] : memref<13312xi32, #tpu.memory_space<vmem>>[vector<16xi32>], vector<16xi32>,
      %add3A_439 = vector.broadcast %mul3A_148 : i32 to vector<16xi32>
      %add3A_440 = arith.addi %gather3A_438, %add3A_439 : vector<16xi32>
      %mul3A_441 = arith.constant 512 : i32
      %mul3A_442 = arith.muli %add3A_146, %mul3A_441 : i32
      %add3A_443 = arith.constant 352 : i32
      %add3A_444 = arith.addi %mul3A_442, %add3A_443 : i32
      %swap3A_445 = arith.index_cast %add3A_444 : i32 to index
      %swap3A_446 = tpu.vector_load %arg10[%swap3A_445] {strides = array<i32>} : memref<13312xi32, #tpu.memory_space<vmem>>, vector<16xi32>,
      tpu.vector_store %arg10[%swap3A_445], %add3A_440 {strides = array<i32>} : memref<13312xi32, #tpu.memory_space<vmem>>, vector<16xi32>,
      %add3A_447 = arith.constant 9568 : i32
      %add3A_448 = arith.addi %add3A_447, %add3A_146 : i32
      %add3A_449 = vector.broadcast %add3A_448 : i32 to vector<16xi32>
      %add3A_450 = arith.addi %mul3A_9, %add3A_449 : vector<16xi32>
      %gather3A_451 = tpu.vector_load_idx %arg7[%add3A_450] : memref<13312xi32, #tpu.memory_space<vmem>>[vector<16xi32>], vector<16xi32>,
      %add3A_452 = vector.broadcast %mul3A_148 : i32 to vector<16xi32>
      %add3A_453 = arith.addi %gather3A_451, %add3A_452 : vector<16xi32>
      %mul3A_454 = arith.constant 512 : i32
      %mul3A_455 = arith.muli %add3A_146, %mul3A_454 : i32
      %add3A_456 = arith.constant 368 : i32
      %add3A_457 = arith.addi %mul3A_455, %add3A_456 : i32
      %swap3A_458 = arith.index_cast %add3A_457 : i32 to index
      %swap3A_459 = tpu.vector_load %arg10[%swap3A_458] {strides = array<i32>} : memref<13312xi32, #tpu.memory_space<vmem>>, vector<16xi32>,
      tpu.vector_store %arg10[%swap3A_458], %add3A_453 {strides = array<i32>} : memref<13312xi32, #tpu.memory_space<vmem>>, vector<16xi32>,
      %add3A_460 = arith.constant 9984 : i32
      %add3A_461 = arith.addi %add3A_460, %add3A_146 : i32
      %add3A_462 = vector.broadcast %add3A_461 : i32 to vector<16xi32>
      %add3A_463 = arith.addi %mul3A_9, %add3A_462 : vector<16xi32>
      %gather3A_464 = tpu.vector_load_idx %arg7[%add3A_463] : memref<13312xi32, #tpu.memory_space<vmem>>[vector<16xi32>], vector<16xi32>,
      %add3A_465 = vector.broadcast %mul3A_148 : i32 to vector<16xi32>
      %add3A_466 = arith.addi %gather3A_464, %add3A_465 : vector<16xi32>
      %mul3A_467 = arith.constant 512 : i32
      %mul3A_468 = arith.muli %add3A_146, %mul3A_467 : i32
      %add3A_469 = arith.constant 384 : i32
      %add3A_470 = arith.addi %mul3A_468, %add3A_469 : i32
      %swap3A_471 = arith.index_cast %add3A_470 : i32 to index
      %swap3A_472 = tpu.vector_load %arg10[%swap3A_471] {strides = array<i32>} : memref<13312xi32, #tpu.memory_space<vmem>>, vector<16xi32>,
      tpu.vector_store %arg10[%swap3A_471], %add3A_466 {strides = array<i32>} : memref<13312xi32, #tpu.memory_space<vmem>>, vector<16xi32>,
      %add3A_473 = arith.constant 10400 : i32
      %add3A_474 = arith.addi %add3A_473, %add3A_146 : i32
      %add3A_475 = vector.broadcast %add3A_474 : i32 to vector<16xi32>
      %add3A_476 = arith.addi %mul3A_9, %add3A_475 : vector<16xi32>
      %gather3A_477 = tpu.vector_load_idx %arg7[%add3A_476] : memref<13312xi32, #tpu.memory_space<vmem>>[vector<16xi32>], vector<16xi32>,
      %add3A_478 = vector.broadcast %mul3A_148 : i32 to vector<16xi32>
      %add3A_479 = arith.addi %gather3A_477, %add3A_478 : vector<16xi32>
      %mul3A_480 = arith.constant 512 : i32
      %mul3A_481 = arith.muli %add3A_146, %mul3A_480 : i32
      %add3A_482 = arith.constant 400 : i32
      %add3A_483 = arith.addi %mul3A_481, %add3A_482 : i32
      %swap3A_484 = arith.index_cast %add3A_483 : i32 to index
      %swap3A_485 = tpu.vector_load %arg10[%swap3A_484] {strides = array<i32>} : memref<13312xi32, #tpu.memory_space<vmem>>, vector<16xi32>,
      tpu.vector_store %arg10[%swap3A_484], %add3A_479 {strides = array<i32>} : memref<13312xi32, #tpu.memory_space<vmem>>, vector<16xi32>,
      %add3A_486 = arith.constant 10816 : i32
      %add3A_487 = arith.addi %add3A_486, %add3A_146 : i32
      %add3A_488 = vector.broadcast %add3A_487 : i32 to vector<16xi32>
      %add3A_489 = arith.addi %mul3A_9, %add3A_488 : vector<16xi32>
      %gather3A_490 = tpu.vector_load_idx %arg7[%add3A_489] : memref<13312xi32, #tpu.memory_space<vmem>>[vector<16xi32>], vector<16xi32>,
      %add3A_491 = vector.broadcast %mul3A_148 : i32 to vector<16xi32>
      %add3A_492 = arith.addi %gather3A_490, %add3A_491 : vector<16xi32>
      %mul3A_493 = arith.constant 512 : i32
      %mul3A_494 = arith.muli %add3A_146, %mul3A_493 : i32
      %add3A_495 = arith.constant 416 : i32
      %add3A_496 = arith.addi %mul3A_494, %add3A_495 : i32
      %swap3A_497 = arith.index_cast %add3A_496 : i32 to index
      %swap3A_498 = tpu.vector_load %arg10[%swap3A_497] {strides = array<i32>} : memref<13312xi32, #tpu.memory_space<vmem>>, vector<16xi32>,
      tpu.vector_store %arg10[%swap3A_497], %add3A_492 {strides = array<i32>} : memref<13312xi32, #tpu.memory_space<vmem>>, vector<16xi32>,
      %add3A_499 = arith.constant 11232 : i32
      %add3A_500 = arith.addi %add3A_499, %add3A_146 : i32
      %add3A_501 = vector.broadcast %add3A_500 : i32 to vector<16xi32>
      %add3A_502 = arith.addi %mul3A_9, %add3A_501 : vector<16xi32>
      %gather3A_503 = tpu.vector_load_idx %arg7[%add3A_502] : memref<13312xi32, #tpu.memory_space<vmem>>[vector<16xi32>], vector<16xi32>,
      %add3A_504 = vector.broadcast %mul3A_148 : i32 to vector<16xi32>
      %add3A_505 = arith.addi %gather3A_503, %add3A_504 : vector<16xi32>
      %mul3A_506 = arith.constant 512 : i32
      %mul3A_507 = arith.muli %add3A_146, %mul3A_506 : i32
      %add3A_508 = arith.constant 432 : i32
      %add3A_509 = arith.addi %mul3A_507, %add3A_508 : i32
      %swap3A_510 = arith.index_cast %add3A_509 : i32 to index
      %swap3A_511 = tpu.vector_load %arg10[%swap3A_510] {strides = array<i32>} : memref<13312xi32, #tpu.memory_space<vmem>>, vector<16xi32>,
      tpu.vector_store %arg10[%swap3A_510], %add3A_505 {strides = array<i32>} : memref<13312xi32, #tpu.memory_space<vmem>>, vector<16xi32>,
      %add3A_512 = arith.constant 11648 : i32
      %add3A_513 = arith.addi %add3A_512, %add3A_146 : i32
      %add3A_514 = vector.broadcast %add3A_513 : i32 to vector<16xi32>
      %add3A_515 = arith.addi %mul3A_9, %add3A_514 : vector<16xi32>
      %gather3A_516 = tpu.vector_load_idx %arg7[%add3A_515] : memref<13312xi32, #tpu.memory_space<vmem>>[vector<16xi32>], vector<16xi32>,
      %add3A_517 = vector.broadcast %mul3A_148 : i32 to vector<16xi32>
      %add3A_518 = arith.addi %gather3A_516, %add3A_517 : vector<16xi32>
      %mul3A_519 = arith.constant 512 : i32
      %mul3A_520 = arith.muli %add3A_146, %mul3A_519 : i32
      %add3A_521 = arith.constant 448 : i32
      %add3A_522 = arith.addi %mul3A_520, %add3A_521 : i32
      %swap3A_523 = arith.index_cast %add3A_522 : i32 to index
      %swap3A_524 = tpu.vector_load %arg10[%swap3A_523] {strides = array<i32>} : memref<13312xi32, #tpu.memory_space<vmem>>, vector<16xi32>,
      tpu.vector_store %arg10[%swap3A_523], %add3A_518 {strides = array<i32>} : memref<13312xi32, #tpu.memory_space<vmem>>, vector<16xi32>,
      %add3A_525 = arith.constant 12064 : i32
      %add3A_526 = arith.addi %add3A_525, %add3A_146 : i32
      %add3A_527 = vector.broadcast %add3A_526 : i32 to vector<16xi32>
      %add3A_528 = arith.addi %mul3A_9, %add3A_527 : vector<16xi32>
      %gather3A_529 = tpu.vector_load_idx %arg7[%add3A_528] : memref<13312xi32, #tpu.memory_space<vmem>>[vector<16xi32>], vector<16xi32>,
      %add3A_530 = vector.broadcast %mul3A_148 : i32 to vector<16xi32>
      %add3A_531 = arith.addi %gather3A_529, %add3A_530 : vector<16xi32>
      %mul3A_532 = arith.constant 512 : i32
      %mul3A_533 = arith.muli %add3A_146, %mul3A_532 : i32
      %add3A_534 = arith.constant 464 : i32
      %add3A_535 = arith.addi %mul3A_533, %add3A_534 : i32
      %swap3A_536 = arith.index_cast %add3A_535 : i32 to index
      %swap3A_537 = tpu.vector_load %arg10[%swap3A_536] {strides = array<i32>} : memref<13312xi32, #tpu.memory_space<vmem>>, vector<16xi32>,
      tpu.vector_store %arg10[%swap3A_536], %add3A_531 {strides = array<i32>} : memref<13312xi32, #tpu.memory_space<vmem>>, vector<16xi32>,
      %add3A_538 = arith.constant 12480 : i32
      %add3A_539 = arith.addi %add3A_538, %add3A_146 : i32
      %add3A_540 = vector.broadcast %add3A_539 : i32 to vector<16xi32>
      %add3A_541 = arith.addi %mul3A_9, %add3A_540 : vector<16xi32>
      %gather3A_542 = tpu.vector_load_idx %arg7[%add3A_541] : memref<13312xi32, #tpu.memory_space<vmem>>[vector<16xi32>], vector<16xi32>,
      %add3A_543 = vector.broadcast %mul3A_148 : i32 to vector<16xi32>
      %add3A_544 = arith.addi %gather3A_542, %add3A_543 : vector<16xi32>
      %mul3A_545 = arith.constant 512 : i32
      %mul3A_546 = arith.muli %add3A_146, %mul3A_545 : i32
      %add3A_547 = arith.constant 480 : i32
      %add3A_548 = arith.addi %mul3A_546, %add3A_547 : i32
      %swap3A_549 = arith.index_cast %add3A_548 : i32 to index
      %swap3A_550 = tpu.vector_load %arg10[%swap3A_549] {strides = array<i32>} : memref<13312xi32, #tpu.memory_space<vmem>>, vector<16xi32>,
      tpu.vector_store %arg10[%swap3A_549], %add3A_544 {strides = array<i32>} : memref<13312xi32, #tpu.memory_space<vmem>>, vector<16xi32>,
      %add3A_551 = arith.constant 12896 : i32
      %add3A_552 = arith.addi %add3A_551, %add3A_146 : i32
      %add3A_553 = vector.broadcast %add3A_552 : i32 to vector<16xi32>
      %add3A_554 = arith.addi %mul3A_9, %add3A_553 : vector<16xi32>
      %gather3A_555 = tpu.vector_load_idx %arg7[%add3A_554] : memref<13312xi32, #tpu.memory_space<vmem>>[vector<16xi32>], vector<16xi32>,
      %add3A_556 = vector.broadcast %mul3A_148 : i32 to vector<16xi32>
      %add3A_557 = arith.addi %gather3A_555, %add3A_556 : vector<16xi32>
      %mul3A_558 = arith.constant 512 : i32
      %mul3A_559 = arith.muli %add3A_146, %mul3A_558 : i32
      %add3A_560 = arith.constant 496 : i32
      %add3A_561 = arith.addi %mul3A_559, %add3A_560 : i32
      %swap3A_562 = arith.index_cast %add3A_561 : i32 to index
      %swap3A_563 = tpu.vector_load %arg10[%swap3A_562] {strides = array<i32>} : memref<13312xi32, #tpu.memory_space<vmem>>, vector<16xi32>,
      tpu.vector_store %arg10[%swap3A_562], %add3A_557 {strides = array<i32>} : memref<13312xi32, #tpu.memory_space<vmem>>, vector<16xi32>,
    }
    %scan3A_13 = arith.constant 26 : i32
    %dma_start3A = arith.constant 0 : i32
    %dma_start3A_14 = tpu.memref_slice %arg5[%dma_start3A] : memref<26000000xf32, #tpu.memory_space<hbm>> -> memref<26000000xf32, #tpu.memory_space<hbm>>
    tpu.enqueue_indirect_dma source(%dma_start3A_14 : memref<26000000xf32, #tpu.memory_space<hbm>>) target(%arg11 : memref<13312xf32, #tpu.memory_space<vmem>>) offsets(%arg10 : memref<13312xi32, #tpu.memory_space<vmem>>) semaphore(%arg13 : memref<!tpu.dma_semaphore, #tpu.memory_space<semaphore_mem>>)
    %dma_wait3A = arith.constant 0 : i32
    %dma_wait3A_15 = tpu.memref_slice %arg5[%dma_wait3A] : memref<26000000xf32, #tpu.memory_space<hbm>> -> memref<26000000xf32, #tpu.memory_space<hbm>>
    tpu.wait_indirect_dma semaphore(%arg13 : memref<!tpu.dma_semaphore, #tpu.memory_space<semaphore_mem>>) src(%dma_wait3A_15 : memref<26000000xf32, #tpu.memory_space<hbm>>) dst(%arg11 : memref<13312xf32, #tpu.memory_space<vmem>>)
    %broadcast_in_dim3A = arith.constant 0 : i32
    %broadcast_in_dim3A_16 = vector.broadcast %broadcast_in_dim3A : i32 to vector<16xi32>
    %gather3A = tpu.vector_load_idx %arg9[%broadcast_in_dim3A_16] : memref<40xf32, #tpu.memory_space<vmem>>[vector<16xi32>], vector<16xf32>,
    %broadcast_in_dim3A_17 = arith.constant 1 : i32
    %broadcast_in_dim3A_18 = vector.broadcast %broadcast_in_dim3A_17 : i32 to vector<16xi32>
    %gather3A_19 = tpu.vector_load_idx %arg9[%broadcast_in_dim3A_18] : memref<40xf32, #tpu.memory_space<vmem>>[vector<16xi32>], vector<16xf32>,
    %broadcast_in_dim3A_20 = arith.constant 2 : i32
    %broadcast_in_dim3A_21 = vector.broadcast %broadcast_in_dim3A_20 : i32 to vector<16xi32>
    %gather3A_22 = tpu.vector_load_idx %arg9[%broadcast_in_dim3A_21] : memref<40xf32, #tpu.memory_space<vmem>>[vector<16xi32>], vector<16xf32>,
    %broadcast_in_dim3A_23 = arith.constant 3 : i32
    %broadcast_in_dim3A_24 = vector.broadcast %broadcast_in_dim3A_23 : i32 to vector<16xi32>
    %gather3A_25 = tpu.vector_load_idx %arg9[%broadcast_in_dim3A_24] : memref<40xf32, #tpu.memory_space<vmem>>[vector<16xi32>], vector<16xf32>,
    %broadcast_in_dim3A_26 = arith.constant 4 : i32
    %broadcast_in_dim3A_27 = vector.broadcast %broadcast_in_dim3A_26 : i32 to vector<16xi32>
    %gather3A_28 = tpu.vector_load_idx %arg9[%broadcast_in_dim3A_27] : memref<40xf32, #tpu.memory_space<vmem>>[vector<16xi32>], vector<16xf32>,
    %broadcast_in_dim3A_29 = arith.constant 5 : i32
    %broadcast_in_dim3A_30 = vector.broadcast %broadcast_in_dim3A_29 : i32 to vector<16xi32>
    %gather3A_31 = tpu.vector_load_idx %arg9[%broadcast_in_dim3A_30] : memref<40xf32, #tpu.memory_space<vmem>>[vector<16xi32>], vector<16xf32>,
    %broadcast_in_dim3A_32 = arith.constant 6 : i32
    %broadcast_in_dim3A_33 = vector.broadcast %broadcast_in_dim3A_32 : i32 to vector<16xi32>
    %gather3A_34 = tpu.vector_load_idx %arg9[%broadcast_in_dim3A_33] : memref<40xf32, #tpu.memory_space<vmem>>[vector<16xi32>], vector<16xf32>,
    %broadcast_in_dim3A_35 = arith.constant 7 : i32
    %broadcast_in_dim3A_36 = vector.broadcast %broadcast_in_dim3A_35 : i32 to vector<16xi32>
    %gather3A_37 = tpu.vector_load_idx %arg9[%broadcast_in_dim3A_36] : memref<40xf32, #tpu.memory_space<vmem>>[vector<16xi32>], vector<16xf32>,
    %broadcast_in_dim3A_38 = arith.constant 8 : i32
    %broadcast_in_dim3A_39 = vector.broadcast %broadcast_in_dim3A_38 : i32 to vector<16xi32>
    %gather3A_40 = tpu.vector_load_idx %arg9[%broadcast_in_dim3A_39] : memref<40xf32, #tpu.memory_space<vmem>>[vector<16xi32>], vector<16xf32>,
    %broadcast_in_dim3A_41 = arith.constant 9 : i32
    %broadcast_in_dim3A_42 = vector.broadcast %broadcast_in_dim3A_41 : i32 to vector<16xi32>
    %gather3A_43 = tpu.vector_load_idx %arg9[%broadcast_in_dim3A_42] : memref<40xf32, #tpu.memory_space<vmem>>[vector<16xi32>], vector<16xf32>,
    %broadcast_in_dim3A_44 = arith.constant 10 : i32
    %broadcast_in_dim3A_45 = vector.broadcast %broadcast_in_dim3A_44 : i32 to vector<16xi32>
    %gather3A_46 = tpu.vector_load_idx %arg9[%broadcast_in_dim3A_45] : memref<40xf32, #tpu.memory_space<vmem>>[vector<16xi32>], vector<16xf32>,
    %broadcast_in_dim3A_47 = arith.constant 11 : i32
    %broadcast_in_dim3A_48 = vector.broadcast %broadcast_in_dim3A_47 : i32 to vector<16xi32>
    %gather3A_49 = tpu.vector_load_idx %arg9[%broadcast_in_dim3A_48] : memref<40xf32, #tpu.memory_space<vmem>>[vector<16xi32>], vector<16xf32>,
    %broadcast_in_dim3A_50 = arith.constant 12 : i32
    %broadcast_in_dim3A_51 = vector.broadcast %broadcast_in_dim3A_50 : i32 to vector<16xi32>
    %gather3A_52 = tpu.vector_load_idx %arg9[%broadcast_in_dim3A_51] : memref<40xf32, #tpu.memory_space<vmem>>[vector<16xi32>], vector<16xf32>,
    %broadcast_in_dim3A_53 = arith.constant 13 : i32
    %broadcast_in_dim3A_54 = vector.broadcast %broadcast_in_dim3A_53 : i32 to vector<16xi32>
    %gather3A_55 = tpu.vector_load_idx %arg9[%broadcast_in_dim3A_54] : memref<40xf32, #tpu.memory_space<vmem>>[vector<16xi32>], vector<16xf32>,
    %broadcast_in_dim3A_56 = arith.constant 14 : i32
    %broadcast_in_dim3A_57 = vector.broadcast %broadcast_in_dim3A_56 : i32 to vector<16xi32>
    %gather3A_58 = tpu.vector_load_idx %arg9[%broadcast_in_dim3A_57] : memref<40xf32, #tpu.memory_space<vmem>>[vector<16xi32>], vector<16xf32>,
    %broadcast_in_dim3A_59 = arith.constant 15 : i32
    %broadcast_in_dim3A_60 = vector.broadcast %broadcast_in_dim3A_59 : i32 to vector<16xi32>
    %gather3A_61 = tpu.vector_load_idx %arg9[%broadcast_in_dim3A_60] : memref<40xf32, #tpu.memory_space<vmem>>[vector<16xi32>], vector<16xf32>,
    %broadcast_in_dim3A_62 = arith.constant 16 : i32
    %broadcast_in_dim3A_63 = vector.broadcast %broadcast_in_dim3A_62 : i32 to vector<16xi32>
    %gather3A_64 = tpu.vector_load_idx %arg9[%broadcast_in_dim3A_63] : memref<40xf32, #tpu.memory_space<vmem>>[vector<16xi32>], vector<16xf32>,
    %broadcast_in_dim3A_65 = arith.constant 17 : i32
    %broadcast_in_dim3A_66 = vector.broadcast %broadcast_in_dim3A_65 : i32 to vector<16xi32>
    %gather3A_67 = tpu.vector_load_idx %arg9[%broadcast_in_dim3A_66] : memref<40xf32, #tpu.memory_space<vmem>>[vector<16xi32>], vector<16xf32>,
    %broadcast_in_dim3A_68 = arith.constant 18 : i32
    %broadcast_in_dim3A_69 = vector.broadcast %broadcast_in_dim3A_68 : i32 to vector<16xi32>
    %gather3A_70 = tpu.vector_load_idx %arg9[%broadcast_in_dim3A_69] : memref<40xf32, #tpu.memory_space<vmem>>[vector<16xi32>], vector<16xf32>,
    %broadcast_in_dim3A_71 = arith.constant 19 : i32
    %broadcast_in_dim3A_72 = vector.broadcast %broadcast_in_dim3A_71 : i32 to vector<16xi32>
    %gather3A_73 = tpu.vector_load_idx %arg9[%broadcast_in_dim3A_72] : memref<40xf32, #tpu.memory_space<vmem>>[vector<16xi32>], vector<16xf32>,
    %broadcast_in_dim3A_74 = arith.constant 20 : i32
    %broadcast_in_dim3A_75 = vector.broadcast %broadcast_in_dim3A_74 : i32 to vector<16xi32>
    %gather3A_76 = tpu.vector_load_idx %arg9[%broadcast_in_dim3A_75] : memref<40xf32, #tpu.memory_space<vmem>>[vector<16xi32>], vector<16xf32>,
    %broadcast_in_dim3A_77 = arith.constant 21 : i32
    %broadcast_in_dim3A_78 = vector.broadcast %broadcast_in_dim3A_77 : i32 to vector<16xi32>
    %gather3A_79 = tpu.vector_load_idx %arg9[%broadcast_in_dim3A_78] : memref<40xf32, #tpu.memory_space<vmem>>[vector<16xi32>], vector<16xf32>,
    %broadcast_in_dim3A_80 = arith.constant 22 : i32
    %broadcast_in_dim3A_81 = vector.broadcast %broadcast_in_dim3A_80 : i32 to vector<16xi32>
    %gather3A_82 = tpu.vector_load_idx %arg9[%broadcast_in_dim3A_81] : memref<40xf32, #tpu.memory_space<vmem>>[vector<16xi32>], vector<16xf32>,
    %broadcast_in_dim3A_83 = arith.constant 23 : i32
    %broadcast_in_dim3A_84 = vector.broadcast %broadcast_in_dim3A_83 : i32 to vector<16xi32>
    %gather3A_85 = tpu.vector_load_idx %arg9[%broadcast_in_dim3A_84] : memref<40xf32, #tpu.memory_space<vmem>>[vector<16xi32>], vector<16xf32>,
    %broadcast_in_dim3A_86 = arith.constant 24 : i32
    %broadcast_in_dim3A_87 = vector.broadcast %broadcast_in_dim3A_86 : i32 to vector<16xi32>
    %gather3A_88 = tpu.vector_load_idx %arg9[%broadcast_in_dim3A_87] : memref<40xf32, #tpu.memory_space<vmem>>[vector<16xi32>], vector<16xf32>,
    %broadcast_in_dim3A_89 = arith.constant 25 : i32
    %broadcast_in_dim3A_90 = vector.broadcast %broadcast_in_dim3A_89 : i32 to vector<16xi32>
    %gather3A_91 = tpu.vector_load_idx %arg9[%broadcast_in_dim3A_90] : memref<40xf32, #tpu.memory_space<vmem>>[vector<16xi32>], vector<16xf32>,
    %broadcast_in_dim3A_92 = arith.constant 26 : i32
    %broadcast_in_dim3A_93 = vector.broadcast %broadcast_in_dim3A_92 : i32 to vector<16xi32>
    %gather3A_94 = tpu.vector_load_idx %arg9[%broadcast_in_dim3A_93] : memref<40xf32, #tpu.memory_space<vmem>>[vector<16xi32>], vector<16xf32>,
    %broadcast_in_dim3A_95 = arith.constant 27 : i32
    %broadcast_in_dim3A_96 = vector.broadcast %broadcast_in_dim3A_95 : i32 to vector<16xi32>
    %gather3A_97 = tpu.vector_load_idx %arg9[%broadcast_in_dim3A_96] : memref<40xf32, #tpu.memory_space<vmem>>[vector<16xi32>], vector<16xf32>,
    %broadcast_in_dim3A_98 = arith.constant 28 : i32
    %broadcast_in_dim3A_99 = vector.broadcast %broadcast_in_dim3A_98 : i32 to vector<16xi32>
    %gather3A_100 = tpu.vector_load_idx %arg9[%broadcast_in_dim3A_99] : memref<40xf32, #tpu.memory_space<vmem>>[vector<16xi32>], vector<16xf32>,
    %broadcast_in_dim3A_101 = arith.constant 29 : i32
    %broadcast_in_dim3A_102 = vector.broadcast %broadcast_in_dim3A_101 : i32 to vector<16xi32>
    %gather3A_103 = tpu.vector_load_idx %arg9[%broadcast_in_dim3A_102] : memref<40xf32, #tpu.memory_space<vmem>>[vector<16xi32>], vector<16xf32>,
    %broadcast_in_dim3A_104 = arith.constant 30 : i32
    %broadcast_in_dim3A_105 = vector.broadcast %broadcast_in_dim3A_104 : i32 to vector<16xi32>
    %gather3A_106 = tpu.vector_load_idx %arg9[%broadcast_in_dim3A_105] : memref<40xf32, #tpu.memory_space<vmem>>[vector<16xi32>], vector<16xf32>,
    %broadcast_in_dim3A_107 = arith.constant 31 : i32
    %broadcast_in_dim3A_108 = vector.broadcast %broadcast_in_dim3A_107 : i32 to vector<16xi32>
    %gather3A_109 = tpu.vector_load_idx %arg9[%broadcast_in_dim3A_108] : memref<40xf32, #tpu.memory_space<vmem>>[vector<16xi32>], vector<16xf32>,
    %broadcast_in_dim3A_110 = arith.constant 32 : i32
    %broadcast_in_dim3A_111 = vector.broadcast %broadcast_in_dim3A_110 : i32 to vector<16xi32>
    %gather3A_112 = tpu.vector_load_idx %arg9[%broadcast_in_dim3A_111] : memref<40xf32, #tpu.memory_space<vmem>>[vector<16xi32>], vector<16xf32>,
    %broadcast_in_dim3A_113 = arith.constant 33 : i32
    %broadcast_in_dim3A_114 = vector.broadcast %broadcast_in_dim3A_113 : i32 to vector<16xi32>
    %gather3A_115 = tpu.vector_load_idx %arg9[%broadcast_in_dim3A_114] : memref<40xf32, #tpu.memory_space<vmem>>[vector<16xi32>], vector<16xf32>,
    %broadcast_in_dim3A_116 = arith.constant 34 : i32
    %broadcast_in_dim3A_117 = vector.broadcast %broadcast_in_dim3A_116 : i32 to vector<16xi32>
    %gather3A_118 = tpu.vector_load_idx %arg9[%broadcast_in_dim3A_117] : memref<40xf32, #tpu.memory_space<vmem>>[vector<16xi32>], vector<16xf32>,
    %broadcast_in_dim3A_119 = arith.constant 35 : i32
    %broadcast_in_dim3A_120 = vector.broadcast %broadcast_in_dim3A_119 : i32 to vector<16xi32>
    %gather3A_121 = tpu.vector_load_idx %arg9[%broadcast_in_dim3A_120] : memref<40xf32, #tpu.memory_space<vmem>>[vector<16xi32>], vector<16xf32>,
    %broadcast_in_dim3A_122 = arith.constant 36 : i32
    %broadcast_in_dim3A_123 = vector.broadcast %broadcast_in_dim3A_122 : i32 to vector<16xi32>
    %gather3A_124 = tpu.vector_load_idx %arg9[%broadcast_in_dim3A_123] : memref<40xf32, #tpu.memory_space<vmem>>[vector<16xi32>], vector<16xf32>,
    %broadcast_in_dim3A_125 = arith.constant 37 : i32
    %broadcast_in_dim3A_126 = vector.broadcast %broadcast_in_dim3A_125 : i32 to vector<16xi32>
    %gather3A_127 = tpu.vector_load_idx %arg9[%broadcast_in_dim3A_126] : memref<40xf32, #tpu.memory_space<vmem>>[vector<16xi32>], vector<16xf32>,
    %broadcast_in_dim3A_128 = arith.constant 38 : i32
    %broadcast_in_dim3A_129 = vector.broadcast %broadcast_in_dim3A_128 : i32 to vector<16xi32>
    %gather3A_130 = tpu.vector_load_idx %arg9[%broadcast_in_dim3A_129] : memref<40xf32, #tpu.memory_space<vmem>>[vector<16xi32>], vector<16xf32>,
    %broadcast_in_dim3A_131 = arith.constant 39 : i32
    %broadcast_in_dim3A_132 = vector.broadcast %broadcast_in_dim3A_131 : i32 to vector<16xi32>
    %gather3A_133 = tpu.vector_load_idx %arg9[%broadcast_in_dim3A_132] : memref<40xf32, #tpu.memory_space<vmem>>[vector<16xi32>], vector<16xf32>,
    %mul3A_134 = arith.constant 13 : i32
    %mul3A_135 = vector.broadcast %mul3A_134 : i32 to vector<16xi32>
    %mul3A_136 = arith.muli %iota3A, %mul3A_135 : vector<16xi32>
    %scan3A_137 = arith.constant 0 : i32
    %scan3A_138 = arith.constant 32 : i32
    %scan3A_139 = arith.addi %scan3A_137, %scan3A_138 : i32
    %scan3A_140 = arith.constant 1 : i32
    scf.for %scan3A_142 = %scan3A_137 to %scan3A_139 step %scan3A_140  : i32 {
      %mul3A_143 = arith.constant 1 : i32
      %mul3A_144 = arith.muli %scan3A_142, %mul3A_143 : i32
      %add3A_145 = arith.constant 0 : i32
      %add3A_146 = arith.addi %add3A_145, %mul3A_144 : i32
      %mul3A_147 = arith.constant 16 : i32
      %mul3A_148 = arith.muli %add3A_146, %mul3A_147 : i32
      %mul3A_149 = arith.constant 13 : i32
      %mul3A_150 = arith.muli %mul3A_148, %mul3A_149 : i32
      %add3A_151 = arith.constant 0 : i32
      %add3A_152 = arith.addi %mul3A_150, %add3A_151 : i32
      %add3A_153 = vector.broadcast %add3A_152 : i32 to vector<16xi32>
      %add3A_154 = arith.addi %mul3A_136, %add3A_153 : vector<16xi32>
      %gather3A_155 = tpu.vector_load_idx %arg8[%add3A_154] : memref<6656xf32, #tpu.memory_space<vmem>>[vector<16xi32>], vector<16xf32>,
      %mul3A_156 = arith.mulf %gather3A_155, %gather3A_94 : vector<16xf32>
      %add3A_157 = arith.addf %gather3A_133, %mul3A_156 : vector<16xf32>
      %mul3A_158 = arith.constant 16 : i32
      %mul3A_159 = arith.muli %add3A_146, %mul3A_158 : i32
      %mul3A_160 = arith.constant 13 : i32
      %mul3A_161 = arith.muli %mul3A_159, %mul3A_160 : i32
      %add3A_162 = arith.constant 1 : i32
      %add3A_163 = arith.addi %mul3A_161, %add3A_162 : i32
      %add3A_164 = vector.broadcast %add3A_163 : i32 to vector<16xi32>
      %add3A_165 = arith.addi %mul3A_136, %add3A_164 : vector<16xi32>
      %gather3A_166 = tpu.vector_load_idx %arg8[%add3A_165] : memref<6656xf32, #tpu.memory_space<vmem>>[vector<16xi32>], vector<16xf32>,
      %mul3A_167 = arith.mulf %gather3A_166, %gather3A_97 : vector<16xf32>
      %add3A_168 = arith.addf %add3A_157, %mul3A_167 : vector<16xf32>
      %mul3A_169 = arith.constant 16 : i32
      %mul3A_170 = arith.muli %add3A_146, %mul3A_169 : i32
      %mul3A_171 = arith.constant 13 : i32
      %mul3A_172 = arith.muli %mul3A_170, %mul3A_171 : i32
      %add3A_173 = arith.constant 2 : i32
      %add3A_174 = arith.addi %mul3A_172, %add3A_173 : i32
      %add3A_175 = vector.broadcast %add3A_174 : i32 to vector<16xi32>
      %add3A_176 = arith.addi %mul3A_136, %add3A_175 : vector<16xi32>
      %gather3A_177 = tpu.vector_load_idx %arg8[%add3A_176] : memref<6656xf32, #tpu.memory_space<vmem>>[vector<16xi32>], vector<16xf32>,
      %mul3A_178 = arith.mulf %gather3A_177, %gather3A_100 : vector<16xf32>
      %add3A_179 = arith.addf %add3A_168, %mul3A_178 : vector<16xf32>
      %mul3A_180 = arith.constant 16 : i32
      %mul3A_181 = arith.muli %add3A_146, %mul3A_180 : i32
      %mul3A_182 = arith.constant 13 : i32
      %mul3A_183 = arith.muli %mul3A_181, %mul3A_182 : i32
      %add3A_184 = arith.constant 3 : i32
      %add3A_185 = arith.addi %mul3A_183, %add3A_184 : i32
      %add3A_186 = vector.broadcast %add3A_185 : i32 to vector<16xi32>
      %add3A_187 = arith.addi %mul3A_136, %add3A_186 : vector<16xi32>
      %gather3A_188 = tpu.vector_load_idx %arg8[%add3A_187] : memref<6656xf32, #tpu.memory_space<vmem>>[vector<16xi32>], vector<16xf32>,
      %mul3A_189 = arith.mulf %gather3A_188, %gather3A_103 : vector<16xf32>
      %add3A_190 = arith.addf %add3A_179, %mul3A_189 : vector<16xf32>
      %mul3A_191 = arith.constant 16 : i32
      %mul3A_192 = arith.muli %add3A_146, %mul3A_191 : i32
      %mul3A_193 = arith.constant 13 : i32
      %mul3A_194 = arith.muli %mul3A_192, %mul3A_193 : i32
      %add3A_195 = arith.constant 4 : i32
      %add3A_196 = arith.addi %mul3A_194, %add3A_195 : i32
      %add3A_197 = vector.broadcast %add3A_196 : i32 to vector<16xi32>
      %add3A_198 = arith.addi %mul3A_136, %add3A_197 : vector<16xi32>
      %gather3A_199 = tpu.vector_load_idx %arg8[%add3A_198] : memref<6656xf32, #tpu.memory_space<vmem>>[vector<16xi32>], vector<16xf32>,
      %mul3A_200 = arith.mulf %gather3A_199, %gather3A_106 : vector<16xf32>
      %add3A_201 = arith.addf %add3A_190, %mul3A_200 : vector<16xf32>
      %mul3A_202 = arith.constant 16 : i32
      %mul3A_203 = arith.muli %add3A_146, %mul3A_202 : i32
      %mul3A_204 = arith.constant 13 : i32
      %mul3A_205 = arith.muli %mul3A_203, %mul3A_204 : i32
      %add3A_206 = arith.constant 5 : i32
      %add3A_207 = arith.addi %mul3A_205, %add3A_206 : i32
      %add3A_208 = vector.broadcast %add3A_207 : i32 to vector<16xi32>
      %add3A_209 = arith.addi %mul3A_136, %add3A_208 : vector<16xi32>
      %gather3A_210 = tpu.vector_load_idx %arg8[%add3A_209] : memref<6656xf32, #tpu.memory_space<vmem>>[vector<16xi32>], vector<16xf32>,
      %mul3A_211 = arith.mulf %gather3A_210, %gather3A_109 : vector<16xf32>
      %add3A_212 = arith.addf %add3A_201, %mul3A_211 : vector<16xf32>
      %mul3A_213 = arith.constant 16 : i32
      %mul3A_214 = arith.muli %add3A_146, %mul3A_213 : i32
      %mul3A_215 = arith.constant 13 : i32
      %mul3A_216 = arith.muli %mul3A_214, %mul3A_215 : i32
      %add3A_217 = arith.constant 6 : i32
      %add3A_218 = arith.addi %mul3A_216, %add3A_217 : i32
      %add3A_219 = vector.broadcast %add3A_218 : i32 to vector<16xi32>
      %add3A_220 = arith.addi %mul3A_136, %add3A_219 : vector<16xi32>
      %gather3A_221 = tpu.vector_load_idx %arg8[%add3A_220] : memref<6656xf32, #tpu.memory_space<vmem>>[vector<16xi32>], vector<16xf32>,
      %mul3A_222 = arith.mulf %gather3A_221, %gather3A_112 : vector<16xf32>
      %add3A_223 = arith.addf %add3A_212, %mul3A_222 : vector<16xf32>
      %mul3A_224 = arith.constant 16 : i32
      %mul3A_225 = arith.muli %add3A_146, %mul3A_224 : i32
      %mul3A_226 = arith.constant 13 : i32
      %mul3A_227 = arith.muli %mul3A_225, %mul3A_226 : i32
      %add3A_228 = arith.constant 7 : i32
      %add3A_229 = arith.addi %mul3A_227, %add3A_228 : i32
      %add3A_230 = vector.broadcast %add3A_229 : i32 to vector<16xi32>
      %add3A_231 = arith.addi %mul3A_136, %add3A_230 : vector<16xi32>
      %gather3A_232 = tpu.vector_load_idx %arg8[%add3A_231] : memref<6656xf32, #tpu.memory_space<vmem>>[vector<16xi32>], vector<16xf32>,
      %mul3A_233 = arith.mulf %gather3A_232, %gather3A_115 : vector<16xf32>
      %add3A_234 = arith.addf %add3A_223, %mul3A_233 : vector<16xf32>
      %mul3A_235 = arith.constant 16 : i32
      %mul3A_236 = arith.muli %add3A_146, %mul3A_235 : i32
      %mul3A_237 = arith.constant 13 : i32
      %mul3A_238 = arith.muli %mul3A_236, %mul3A_237 : i32
      %add3A_239 = arith.constant 8 : i32
      %add3A_240 = arith.addi %mul3A_238, %add3A_239 : i32
      %add3A_241 = vector.broadcast %add3A_240 : i32 to vector<16xi32>
      %add3A_242 = arith.addi %mul3A_136, %add3A_241 : vector<16xi32>
      %gather3A_243 = tpu.vector_load_idx %arg8[%add3A_242] : memref<6656xf32, #tpu.memory_space<vmem>>[vector<16xi32>], vector<16xf32>,
      %mul3A_244 = arith.mulf %gather3A_243, %gather3A_118 : vector<16xf32>
      %add3A_245 = arith.addf %add3A_234, %mul3A_244 : vector<16xf32>
      %mul3A_246 = arith.constant 16 : i32
      %mul3A_247 = arith.muli %add3A_146, %mul3A_246 : i32
      %mul3A_248 = arith.constant 13 : i32
      %mul3A_249 = arith.muli %mul3A_247, %mul3A_248 : i32
      %add3A_250 = arith.constant 9 : i32
      %add3A_251 = arith.addi %mul3A_249, %add3A_250 : i32
      %add3A_252 = vector.broadcast %add3A_251 : i32 to vector<16xi32>
      %add3A_253 = arith.addi %mul3A_136, %add3A_252 : vector<16xi32>
      %gather3A_254 = tpu.vector_load_idx %arg8[%add3A_253] : memref<6656xf32, #tpu.memory_space<vmem>>[vector<16xi32>], vector<16xf32>,
      %mul3A_255 = arith.mulf %gather3A_254, %gather3A_121 : vector<16xf32>
      %add3A_256 = arith.addf %add3A_245, %mul3A_255 : vector<16xf32>
      %mul3A_257 = arith.constant 16 : i32
      %mul3A_258 = arith.muli %add3A_146, %mul3A_257 : i32
      %mul3A_259 = arith.constant 13 : i32
      %mul3A_260 = arith.muli %mul3A_258, %mul3A_259 : i32
      %add3A_261 = arith.constant 10 : i32
      %add3A_262 = arith.addi %mul3A_260, %add3A_261 : i32
      %add3A_263 = vector.broadcast %add3A_262 : i32 to vector<16xi32>
      %add3A_264 = arith.addi %mul3A_136, %add3A_263 : vector<16xi32>
      %gather3A_265 = tpu.vector_load_idx %arg8[%add3A_264] : memref<6656xf32, #tpu.memory_space<vmem>>[vector<16xi32>], vector<16xf32>,
      %mul3A_266 = arith.mulf %gather3A_265, %gather3A_124 : vector<16xf32>
      %add3A_267 = arith.addf %add3A_256, %mul3A_266 : vector<16xf32>
      %mul3A_268 = arith.constant 16 : i32
      %mul3A_269 = arith.muli %add3A_146, %mul3A_268 : i32
      %mul3A_270 = arith.constant 13 : i32
      %mul3A_271 = arith.muli %mul3A_269, %mul3A_270 : i32
      %add3A_272 = arith.constant 11 : i32
      %add3A_273 = arith.addi %mul3A_271, %add3A_272 : i32
      %add3A_274 = vector.broadcast %add3A_273 : i32 to vector<16xi32>
      %add3A_275 = arith.addi %mul3A_136, %add3A_274 : vector<16xi32>
      %gather3A_276 = tpu.vector_load_idx %arg8[%add3A_275] : memref<6656xf32, #tpu.memory_space<vmem>>[vector<16xi32>], vector<16xf32>,
      %mul3A_277 = arith.mulf %gather3A_276, %gather3A_127 : vector<16xf32>
      %add3A_278 = arith.addf %add3A_267, %mul3A_277 : vector<16xf32>
      %mul3A_279 = arith.constant 16 : i32
      %mul3A_280 = arith.muli %add3A_146, %mul3A_279 : i32
      %mul3A_281 = arith.constant 13 : i32
      %mul3A_282 = arith.muli %mul3A_280, %mul3A_281 : i32
      %add3A_283 = arith.constant 12 : i32
      %add3A_284 = arith.addi %mul3A_282, %add3A_283 : i32
      %add3A_285 = vector.broadcast %add3A_284 : i32 to vector<16xi32>
      %add3A_286 = arith.addi %mul3A_136, %add3A_285 : vector<16xi32>
      %gather3A_287 = tpu.vector_load_idx %arg8[%add3A_286] : memref<6656xf32, #tpu.memory_space<vmem>>[vector<16xi32>], vector<16xf32>,
      %mul3A_288 = arith.mulf %gather3A_287, %gather3A_130 : vector<16xf32>
      %add3A_289 = arith.addf %add3A_278, %mul3A_288 : vector<16xf32>
      %mul3A_290 = arith.constant 16 : i32
      %mul3A_291 = arith.muli %add3A_146, %mul3A_290 : i32
      %add3A_292 = arith.constant 0 : i32
      %add3A_293 = arith.addi %add3A_292, %mul3A_291 : i32
      %get3A = arith.index_cast %add3A_293 : i32 to index
      %get3A_294 = tpu.vector_load %arg11[%get3A] {strides = array<i32>} : memref<13312xf32, #tpu.memory_space<vmem>>, vector<16xf32>,
      %mul3A_295 = arith.mulf %get3A_294, %gather3A : vector<16xf32>
      %add3A_296 = arith.addf %add3A_289, %mul3A_295 : vector<16xf32>
      %mul3A_297 = arith.constant 16 : i32
      %mul3A_298 = arith.muli %add3A_146, %mul3A_297 : i32
      %add3A_299 = arith.constant 512 : i32
      %add3A_300 = arith.addi %add3A_299, %mul3A_298 : i32
      %get3A_301 = arith.index_cast %add3A_300 : i32 to index
      %get3A_302 = tpu.vector_load %arg11[%get3A_301] {strides = array<i32>} : memref<13312xf32, #tpu.memory_space<vmem>>, vector<16xf32>,
      %mul3A_303 = arith.mulf %get3A_302, %gather3A_19 : vector<16xf32>
      %add3A_304 = arith.addf %add3A_296, %mul3A_303 : vector<16xf32>
      %mul3A_305 = arith.constant 16 : i32
      %mul3A_306 = arith.muli %add3A_146, %mul3A_305 : i32
      %add3A_307 = arith.constant 1024 : i32
      %add3A_308 = arith.addi %add3A_307, %mul3A_306 : i32
      %get3A_309 = arith.index_cast %add3A_308 : i32 to index
      %get3A_310 = tpu.vector_load %arg11[%get3A_309] {strides = array<i32>} : memref<13312xf32, #tpu.memory_space<vmem>>, vector<16xf32>,
      %mul3A_311 = arith.mulf %get3A_310, %gather3A_22 : vector<16xf32>
      %add3A_312 = arith.addf %add3A_304, %mul3A_311 : vector<16xf32>
      %mul3A_313 = arith.constant 16 : i32
      %mul3A_314 = arith.muli %add3A_146, %mul3A_313 : i32
      %add3A_315 = arith.constant 1536 : i32
      %add3A_316 = arith.addi %add3A_315, %mul3A_314 : i32
      %get3A_317 = arith.index_cast %add3A_316 : i32 to index
      %get3A_318 = tpu.vector_load %arg11[%get3A_317] {strides = array<i32>} : memref<13312xf32, #tpu.memory_space<vmem>>, vector<16xf32>,
      %mul3A_319 = arith.mulf %get3A_318, %gather3A_25 : vector<16xf32>
      %add3A_320 = arith.addf %add3A_312, %mul3A_319 : vector<16xf32>
      %mul3A_321 = arith.constant 16 : i32
      %mul3A_322 = arith.muli %add3A_146, %mul3A_321 : i32
      %add3A_323 = arith.constant 2048 : i32
      %add3A_324 = arith.addi %add3A_323, %mul3A_322 : i32
      %get3A_325 = arith.index_cast %add3A_324 : i32 to index
      %get3A_326 = tpu.vector_load %arg11[%get3A_325] {strides = array<i32>} : memref<13312xf32, #tpu.memory_space<vmem>>, vector<16xf32>,
      %mul3A_327 = arith.mulf %get3A_326, %gather3A_28 : vector<16xf32>
      %add3A_328 = arith.addf %add3A_320, %mul3A_327 : vector<16xf32>
      %mul3A_329 = arith.constant 16 : i32
      %mul3A_330 = arith.muli %add3A_146, %mul3A_329 : i32
      %add3A_331 = arith.constant 2560 : i32
      %add3A_332 = arith.addi %add3A_331, %mul3A_330 : i32
      %get3A_333 = arith.index_cast %add3A_332 : i32 to index
      %get3A_334 = tpu.vector_load %arg11[%get3A_333] {strides = array<i32>} : memref<13312xf32, #tpu.memory_space<vmem>>, vector<16xf32>,
      %mul3A_335 = arith.mulf %get3A_334, %gather3A_31 : vector<16xf32>
      %add3A_336 = arith.addf %add3A_328, %mul3A_335 : vector<16xf32>
      %mul3A_337 = arith.constant 16 : i32
      %mul3A_338 = arith.muli %add3A_146, %mul3A_337 : i32
      %add3A_339 = arith.constant 3072 : i32
      %add3A_340 = arith.addi %add3A_339, %mul3A_338 : i32
      %get3A_341 = arith.index_cast %add3A_340 : i32 to index
      %get3A_342 = tpu.vector_load %arg11[%get3A_341] {strides = array<i32>} : memref<13312xf32, #tpu.memory_space<vmem>>, vector<16xf32>,
      %mul3A_343 = arith.mulf %get3A_342, %gather3A_34 : vector<16xf32>
      %add3A_344 = arith.addf %add3A_336, %mul3A_343 : vector<16xf32>
      %mul3A_345 = arith.constant 16 : i32
      %mul3A_346 = arith.muli %add3A_146, %mul3A_345 : i32
      %add3A_347 = arith.constant 3584 : i32
      %add3A_348 = arith.addi %add3A_347, %mul3A_346 : i32
      %get3A_349 = arith.index_cast %add3A_348 : i32 to index
      %get3A_350 = tpu.vector_load %arg11[%get3A_349] {strides = array<i32>} : memref<13312xf32, #tpu.memory_space<vmem>>, vector<16xf32>,
      %mul3A_351 = arith.mulf %get3A_350, %gather3A_37 : vector<16xf32>
      %add3A_352 = arith.addf %add3A_344, %mul3A_351 : vector<16xf32>
      %mul3A_353 = arith.constant 16 : i32
      %mul3A_354 = arith.muli %add3A_146, %mul3A_353 : i32
      %add3A_355 = arith.constant 4096 : i32
      %add3A_356 = arith.addi %add3A_355, %mul3A_354 : i32
      %get3A_357 = arith.index_cast %add3A_356 : i32 to index
      %get3A_358 = tpu.vector_load %arg11[%get3A_357] {strides = array<i32>} : memref<13312xf32, #tpu.memory_space<vmem>>, vector<16xf32>,
      %mul3A_359 = arith.mulf %get3A_358, %gather3A_40 : vector<16xf32>
      %add3A_360 = arith.addf %add3A_352, %mul3A_359 : vector<16xf32>
      %mul3A_361 = arith.constant 16 : i32
      %mul3A_362 = arith.muli %add3A_146, %mul3A_361 : i32
      %add3A_363 = arith.constant 4608 : i32
      %add3A_364 = arith.addi %add3A_363, %mul3A_362 : i32
      %get3A_365 = arith.index_cast %add3A_364 : i32 to index
      %get3A_366 = tpu.vector_load %arg11[%get3A_365] {strides = array<i32>} : memref<13312xf32, #tpu.memory_space<vmem>>, vector<16xf32>,
      %mul3A_367 = arith.mulf %get3A_366, %gather3A_43 : vector<16xf32>
      %add3A_368 = arith.addf %add3A_360, %mul3A_367 : vector<16xf32>
      %mul3A_369 = arith.constant 16 : i32
      %mul3A_370 = arith.muli %add3A_146, %mul3A_369 : i32
      %add3A_371 = arith.constant 5120 : i32
      %add3A_372 = arith.addi %add3A_371, %mul3A_370 : i32
      %get3A_373 = arith.index_cast %add3A_372 : i32 to index
      %get3A_374 = tpu.vector_load %arg11[%get3A_373] {strides = array<i32>} : memref<13312xf32, #tpu.memory_space<vmem>>, vector<16xf32>,
      %mul3A_375 = arith.mulf %get3A_374, %gather3A_46 : vector<16xf32>
      %add3A_376 = arith.addf %add3A_368, %mul3A_375 : vector<16xf32>
      %mul3A_377 = arith.constant 16 : i32
      %mul3A_378 = arith.muli %add3A_146, %mul3A_377 : i32
      %add3A_379 = arith.constant 5632 : i32
      %add3A_380 = arith.addi %add3A_379, %mul3A_378 : i32
      %get3A_381 = arith.index_cast %add3A_380 : i32 to index
      %get3A_382 = tpu.vector_load %arg11[%get3A_381] {strides = array<i32>} : memref<13312xf32, #tpu.memory_space<vmem>>, vector<16xf32>,
      %mul3A_383 = arith.mulf %get3A_382, %gather3A_49 : vector<16xf32>
      %add3A_384 = arith.addf %add3A_376, %mul3A_383 : vector<16xf32>
      %mul3A_385 = arith.constant 16 : i32
      %mul3A_386 = arith.muli %add3A_146, %mul3A_385 : i32
      %add3A_387 = arith.constant 6144 : i32
      %add3A_388 = arith.addi %add3A_387, %mul3A_386 : i32
      %get3A_389 = arith.index_cast %add3A_388 : i32 to index
      %get3A_390 = tpu.vector_load %arg11[%get3A_389] {strides = array<i32>} : memref<13312xf32, #tpu.memory_space<vmem>>, vector<16xf32>,
      %mul3A_391 = arith.mulf %get3A_390, %gather3A_52 : vector<16xf32>
      %add3A_392 = arith.addf %add3A_384, %mul3A_391 : vector<16xf32>
      %mul3A_393 = arith.constant 16 : i32
      %mul3A_394 = arith.muli %add3A_146, %mul3A_393 : i32
      %add3A_395 = arith.constant 6656 : i32
      %add3A_396 = arith.addi %add3A_395, %mul3A_394 : i32
      %get3A_397 = arith.index_cast %add3A_396 : i32 to index
      %get3A_398 = tpu.vector_load %arg11[%get3A_397] {strides = array<i32>} : memref<13312xf32, #tpu.memory_space<vmem>>, vector<16xf32>,
      %mul3A_399 = arith.mulf %get3A_398, %gather3A_55 : vector<16xf32>
      %add3A_400 = arith.addf %add3A_392, %mul3A_399 : vector<16xf32>
      %mul3A_401 = arith.constant 16 : i32
      %mul3A_402 = arith.muli %add3A_146, %mul3A_401 : i32
      %add3A_403 = arith.constant 7168 : i32
      %add3A_404 = arith.addi %add3A_403, %mul3A_402 : i32
      %get3A_405 = arith.index_cast %add3A_404 : i32 to index
      %get3A_406 = tpu.vector_load %arg11[%get3A_405] {strides = array<i32>} : memref<13312xf32, #tpu.memory_space<vmem>>, vector<16xf32>,
      %mul3A_407 = arith.mulf %get3A_406, %gather3A_58 : vector<16xf32>
      %add3A_408 = arith.addf %add3A_400, %mul3A_407 : vector<16xf32>
      %mul3A_409 = arith.constant 16 : i32
      %mul3A_410 = arith.muli %add3A_146, %mul3A_409 : i32
      %add3A_411 = arith.constant 7680 : i32
      %add3A_412 = arith.addi %add3A_411, %mul3A_410 : i32
      %get3A_413 = arith.index_cast %add3A_412 : i32 to index
      %get3A_414 = tpu.vector_load %arg11[%get3A_413] {strides = array<i32>} : memref<13312xf32, #tpu.memory_space<vmem>>, vector<16xf32>,
      %mul3A_415 = arith.mulf %get3A_414, %gather3A_61 : vector<16xf32>
      %add3A_416 = arith.addf %add3A_408, %mul3A_415 : vector<16xf32>
      %mul3A_417 = arith.constant 16 : i32
      %mul3A_418 = arith.muli %add3A_146, %mul3A_417 : i32
      %add3A_419 = arith.constant 8192 : i32
      %add3A_420 = arith.addi %add3A_419, %mul3A_418 : i32
      %get3A_421 = arith.index_cast %add3A_420 : i32 to index
      %get3A_422 = tpu.vector_load %arg11[%get3A_421] {strides = array<i32>} : memref<13312xf32, #tpu.memory_space<vmem>>, vector<16xf32>,
      %mul3A_423 = arith.mulf %get3A_422, %gather3A_64 : vector<16xf32>
      %add3A_424 = arith.addf %add3A_416, %mul3A_423 : vector<16xf32>
      %mul3A_425 = arith.constant 16 : i32
      %mul3A_426 = arith.muli %add3A_146, %mul3A_425 : i32
      %add3A_427 = arith.constant 8704 : i32
      %add3A_428 = arith.addi %add3A_427, %mul3A_426 : i32
      %get3A_429 = arith.index_cast %add3A_428 : i32 to index
      %get3A_430 = tpu.vector_load %arg11[%get3A_429] {strides = array<i32>} : memref<13312xf32, #tpu.memory_space<vmem>>, vector<16xf32>,
      %mul3A_431 = arith.mulf %get3A_430, %gather3A_67 : vector<16xf32>
      %add3A_432 = arith.addf %add3A_424, %mul3A_431 : vector<16xf32>
      %mul3A_433 = arith.constant 16 : i32
      %mul3A_434 = arith.muli %add3A_146, %mul3A_433 : i32
      %add3A_435 = arith.constant 9216 : i32
      %add3A_436 = arith.addi %add3A_435, %mul3A_434 : i32
      %get3A_437 = arith.index_cast %add3A_436 : i32 to index
      %get3A_438 = tpu.vector_load %arg11[%get3A_437] {strides = array<i32>} : memref<13312xf32, #tpu.memory_space<vmem>>, vector<16xf32>,
      %mul3A_439 = arith.mulf %get3A_438, %gather3A_70 : vector<16xf32>
      %add3A_440 = arith.addf %add3A_432, %mul3A_439 : vector<16xf32>
      %mul3A_441 = arith.constant 16 : i32
      %mul3A_442 = arith.muli %add3A_146, %mul3A_441 : i32
      %add3A_443 = arith.constant 9728 : i32
      %add3A_444 = arith.addi %add3A_443, %mul3A_442 : i32
      %get3A_445 = arith.index_cast %add3A_444 : i32 to index
      %get3A_446 = tpu.vector_load %arg11[%get3A_445] {strides = array<i32>} : memref<13312xf32, #tpu.memory_space<vmem>>, vector<16xf32>,
      %mul3A_447 = arith.mulf %get3A_446, %gather3A_73 : vector<16xf32>
      %add3A_448 = arith.addf %add3A_440, %mul3A_447 : vector<16xf32>
      %mul3A_449 = arith.constant 16 : i32
      %mul3A_450 = arith.muli %add3A_146, %mul3A_449 : i32
      %add3A_451 = arith.constant 10240 : i32
      %add3A_452 = arith.addi %add3A_451, %mul3A_450 : i32
      %get3A_453 = arith.index_cast %add3A_452 : i32 to index
      %get3A_454 = tpu.vector_load %arg11[%get3A_453] {strides = array<i32>} : memref<13312xf32, #tpu.memory_space<vmem>>, vector<16xf32>,
      %mul3A_455 = arith.mulf %get3A_454, %gather3A_76 : vector<16xf32>
      %add3A_456 = arith.addf %add3A_448, %mul3A_455 : vector<16xf32>
      %mul3A_457 = arith.constant 16 : i32
      %mul3A_458 = arith.muli %add3A_146, %mul3A_457 : i32
      %add3A_459 = arith.constant 10752 : i32
      %add3A_460 = arith.addi %add3A_459, %mul3A_458 : i32
      %get3A_461 = arith.index_cast %add3A_460 : i32 to index
      %get3A_462 = tpu.vector_load %arg11[%get3A_461] {strides = array<i32>} : memref<13312xf32, #tpu.memory_space<vmem>>, vector<16xf32>,
      %mul3A_463 = arith.mulf %get3A_462, %gather3A_79 : vector<16xf32>
      %add3A_464 = arith.addf %add3A_456, %mul3A_463 : vector<16xf32>
      %mul3A_465 = arith.constant 16 : i32
      %mul3A_466 = arith.muli %add3A_146, %mul3A_465 : i32
      %add3A_467 = arith.constant 11264 : i32
      %add3A_468 = arith.addi %add3A_467, %mul3A_466 : i32
      %get3A_469 = arith.index_cast %add3A_468 : i32 to index
      %get3A_470 = tpu.vector_load %arg11[%get3A_469] {strides = array<i32>} : memref<13312xf32, #tpu.memory_space<vmem>>, vector<16xf32>,
      %mul3A_471 = arith.mulf %get3A_470, %gather3A_82 : vector<16xf32>
      %add3A_472 = arith.addf %add3A_464, %mul3A_471 : vector<16xf32>
      %mul3A_473 = arith.constant 16 : i32
      %mul3A_474 = arith.muli %add3A_146, %mul3A_473 : i32
      %add3A_475 = arith.constant 11776 : i32
      %add3A_476 = arith.addi %add3A_475, %mul3A_474 : i32
      %get3A_477 = arith.index_cast %add3A_476 : i32 to index
      %get3A_478 = tpu.vector_load %arg11[%get3A_477] {strides = array<i32>} : memref<13312xf32, #tpu.memory_space<vmem>>, vector<16xf32>,
      %mul3A_479 = arith.mulf %get3A_478, %gather3A_85 : vector<16xf32>
      %add3A_480 = arith.addf %add3A_472, %mul3A_479 : vector<16xf32>
      %mul3A_481 = arith.constant 16 : i32
      %mul3A_482 = arith.muli %add3A_146, %mul3A_481 : i32
      %add3A_483 = arith.constant 12288 : i32
      %add3A_484 = arith.addi %add3A_483, %mul3A_482 : i32
      %get3A_485 = arith.index_cast %add3A_484 : i32 to index
      %get3A_486 = tpu.vector_load %arg11[%get3A_485] {strides = array<i32>} : memref<13312xf32, #tpu.memory_space<vmem>>, vector<16xf32>,
      %mul3A_487 = arith.mulf %get3A_486, %gather3A_88 : vector<16xf32>
      %add3A_488 = arith.addf %add3A_480, %mul3A_487 : vector<16xf32>
      %mul3A_489 = arith.constant 16 : i32
      %mul3A_490 = arith.muli %add3A_146, %mul3A_489 : i32
      %add3A_491 = arith.constant 12800 : i32
      %add3A_492 = arith.addi %add3A_491, %mul3A_490 : i32
      %get3A_493 = arith.index_cast %add3A_492 : i32 to index
      %get3A_494 = tpu.vector_load %arg11[%get3A_493] {strides = array<i32>} : memref<13312xf32, #tpu.memory_space<vmem>>, vector<16xf32>,
      %mul3A_495 = arith.mulf %get3A_494, %gather3A_91 : vector<16xf32>
      %add3A_496 = arith.addf %add3A_488, %mul3A_495 : vector<16xf32>
      %mul3A_497 = arith.constant 16 : i32
      %mul3A_498 = arith.muli %add3A_146, %mul3A_497 : i32
      %swap3A = arith.index_cast %mul3A_498 : i32 to index
      %swap3A_499 = tpu.vector_load %arg12[%swap3A] {strides = array<i32>} : memref<512xf32, #tpu.memory_space<vmem>>, vector<16xf32>,
      tpu.vector_store %arg12[%swap3A], %add3A_496 {strides = array<i32>} : memref<512xf32, #tpu.memory_space<vmem>>, vector<16xf32>,
    }
    %scan3A_141 = arith.constant 32 : i32
    "tpu.region"() ({
      %run_scoped3A = tpu.sem_alloc : memref<!tpu.dma_semaphore, #tpu.memory_space<semaphore_mem>>
      %dma_start3A_142 = tpu.memref_slice %arg6[%mul3A_2] : memref<16384xf32, #tpu.memory_space<hbm>> -> memref<512xf32, #tpu.memory_space<hbm>>
      %dma_start3A_143 = tpu.memref_slice %arg6[%mul3A_2] : memref<16384xf32, #tpu.memory_space<hbm>> -> memref<512xf32, #tpu.memory_space<hbm>>
      tpu.enqueue_dma source(%arg12 : memref<512xf32, #tpu.memory_space<vmem>>) target(%dma_start3A_143 : memref<512xf32, #tpu.memory_space<hbm>>) target_semaphore(%run_scoped3A : memref<!tpu.dma_semaphore, #tpu.memory_space<semaphore_mem>>)
      %dma_wait3A_144 = tpu.memref_slice %arg6[%mul3A_2] : memref<16384xf32, #tpu.memory_space<hbm>> -> memref<512xf32, #tpu.memory_space<hbm>>
      %dma_wait3A_145 = tpu.memref_slice %arg6[%mul3A_2] : memref<16384xf32, #tpu.memory_space<hbm>> -> memref<512xf32, #tpu.memory_space<hbm>>
      tpu.wait_dma2 semaphore(%run_scoped3A : memref<!tpu.dma_semaphore, #tpu.memory_space<semaphore_mem>>) src(%arg12 : memref<512xf32, #tpu.memory_space<vmem>>) dst(%dma_wait3A_145 : memref<512xf32, #tpu.memory_space<hbm>>)
      tpu.yield
    }) : () -> ()
    return
  }
}

</mosaic_0001>

<sc_bundles>
// kernel: _run.3.cloned.1.call-start
scs
__scs_entry_jumppad:
0x0: {  	(pc) =	sbr.rel $0x88, $3  }
0x1: {  	(tag) =	ssettag $0x0;
	lr =	simm.s32 $0x1  }
0x2: {  	[smem:$0x3F9D] =	sst lr;
	_ =	strace $0xD0000000  }
0x3: {  	_ = 	snop  }
0x4: {  	_ = 	snop  }
0x5: {  	_ = 	snop  }
0x6: {  	_ = 	snop  }
0x7: {  	_ = 	snop  }
__scs_overlays_trampoline_lowered:
0x8: {  	[smem:$0x3FAC] =	sst s0  }
0x9: {  	[smem:$0x3FAD] =	sst s1  }
0xa: {  	[smem:$0x3FAE] =	sst s2  }
0xb: {  	[smem:$0x3FAF] =	sst s3  }
0xc: {  	[smem:$0x3FB0] =	sst s4  }
0xd: {  	[smem:$0x3FB1] =	sst s5  }
0xe: {  	[smem:$0x3FB2] =	sst s6  }
0xf: {  	[smem:$0x3FB3] =	sst s7  }
0x10: {  	[smem:$0x3FB4] =	sst s8  }
0x11: {  	[smem:$0x3FB5] =	sst s9;
	s0 =	simm.s32 @!p0 $0x0  }
0x12: {  	s1 =	sld [smem:$0x3F9B];
	s0 =	simm.s32 @p0 $0x1  }
0x13: {  	[smem:$0x3FB6] =	sst s0;
	s0 =	simm.s32 @!p1 $0x0  }
0x14: {  	s2 =	sld [smem:$0x3F9A];
	s0 =	simm.s32 @p1 $0x1  }
0x15: {  	[smem:$0x3FB7] =	sst s0;
	s0 =	simm.s32 @!p2 $0x0  }
0x16: {  	s3 =	sld [smem:$0x3FDB];
	s0 =	simm.s32 @p2 $0x1  }
0x17: {  	s4 =	simm.s32 $0x1BF5;
	[smem:$0x3FB9] =	sst s0  }
0x18: {  	s0 =	sld [smem:$0x3F9C];
	_ =	swait.ge [sflag:s4], $0x0  }
0x19: {  	s7 =	sld [smem:$0x3F9D]  }
0x1a: {  	s8 =	sadd.s32 $0xFFFFE003, lr  }
0x1b: {  	s9 =	sadd.s32 $0xFFFFFEF7, lr;
	s5 =	simm.s32 $0xFFFFFFFF;
	p2 =	slt.u32 s8, $0xFFFFF086  }
0x1c: {  	p1 =	slt.u32 s9, $0xF7A;
	s5 =	simm.s32 @!p2 $0x0  }
0x1d: {  	s5 =	simm.s32 @p1 $0x1;
	p0 =	seq.s32 s7, s2  }
0x1e: {  	s7 =	smul.u32 @!p0 $0xF7A, s2;
	p2 =	seq.s32 @!p0 s5, $0x0  }
0x1f: {  	s9 =	smul.u32 $0xF7A, s1;
	s8 =	simm.s32 @!p0 $0x1BF5;
	p2 =	por !p2, p0  }
0x20: {  	[sflag:s8] =	ssyncset.s32 @!p0 $0xFFFFF086;
	s6 =	sadd.s32 @!p0 s3, s7;
	s7 =	simm.s32 @!p0 $0x108  }
0x21: {  	s3 =	sadd.s32 s3, s9;
	s6 =	sadd.s32 @!p0 $0x88, s6;
	s7 =	simm.s32 @p2 $0x1082  }
0x22: {  	[simem:s7], [sflag:s8] =	dma.local @!p0 [hbm:s6], $0xF7A  }
0x23: {  	s9 =	sor.u32 $0xD0000000, s2;
	s6 =	simm.s32 $0x108;
	_ =	swait.ge @!p0 [sflag:s8], $0x0  }
0x24: {  	s3 =	sadd.s32 $0x88, s3;
	s6 =	simm.s32 @!p1 $0x1082;
	[sflag:s4] =	ssyncset.s32 $0xFFFFF086  }
0x25: {  	[simem:s6], [sflag:s4] =	dma.local [hbm:s3], $0xF7A  }
0x26: {  	[smem:$0x3F9D] =	sst s1;
	(tag) =	ssettag s2;
	_ =	strace s9  }
0x27: {  	s1 =	sld [smem:$0x3FAD]  }
0x28: {  	s2 =	sld [smem:$0x3FAE]  }
0x29: {  	s4 =	sld [smem:$0x3FB0]  }
0x2a: {  	p0 =	seq.s32 s5, $0x0;
	s5 =	sld [smem:$0x3FB1]  }
0x2b: {  	s6 =	sld [smem:$0x3FB2]  }
0x2c: {  	s7 =	sld [smem:$0x3FB3]  }
0x2d: {  	s3 =	simm.s32 $0x108;
	s8 =	sld [smem:$0x3FB4]  }
0x2e: {  	s3 =	simm.s32 @!p0 $0x1082;
	s9 =	sld [smem:$0x3FB5]  }
0x2f: {  	lr =	sadd.s32 s0, s3;
	s0 =	sld [smem:$0x3FAC]  }
0x30: {  	s3 =	sld [smem:$0x3FAF]  }
0x31: {  	[smem:$0x3FB8] =	sst s10  }
0x32: {  	s10 =	sld [smem:$0x3FB6];
	_ =	sdelay $0x3  }
0x33: {  	p0 =	seq.s32 s10, $0x1;
	s10 =	sld [smem:$0x3FB8];
	_ =	sdelay $0x3  }
0x34: {  	[smem:$0x3FB8] =	sst s10  }
0x35: {  	s10 =	sld [smem:$0x3FB7];
	_ =	sdelay $0x3  }
0x36: {  	p1 =	seq.s32 s10, $0x1;
	s10 =	sld [smem:$0x3FB8];
	_ =	sdelay $0x3  }
0x37: {  	[smem:$0x3FB8] =	sst s10  }
0x38: {  	s10 =	sld [smem:$0x3FB9]  }
0x39: {  	_ = 	snop;
	(pc) =	sbr.ind lr, $3  }
0x3a: {  	_ = 	snop  }
0x3b: {  	_ = 	snop  }
0x3c: {  	p2 =	seq.s32 s10, $0x1;
	s10 =	sld [smem:$0x3FB8]  }
0x3d: {  	_ =	shalt  }
0x3e: {  	_ =	shalt  }
0x3f: {  	_ =	shalt  }
0x40: {  	_ =	shalt  }
0x41: {  	_ =	shalt  }
0x42: {  	_ =	shalt  }
0x43: {  	_ =	shalt  }
0x44: {  	_ =	shalt  }
0x45: {  	_ =	shalt  }
0x46: {  	_ =	shalt  }
0x47: {  	_ =	shalt  }
0x48: {  	_ =	shalt  }
0x49: {  	_ =	shalt  }
0x4a: {  	_ =	shalt  }
0x4b: {  	_ =	shalt  }
0x4c: {  	_ =	shalt  }
0x4d: {  	_ =	shalt  }
0x4e: {  	_ =	shalt  }
0x4f: {  	_ =	shalt  }
0x50: {  	_ =	shalt  }
0x51: {  	_ =	shalt  }
0x52: {  	_ =	shalt  }
0x53: {  	_ =	shalt  }
0x54: {  	_ =	shalt  }
0x55: {  	_ =	shalt  }
0x56: {  	_ =	shalt  }
0x57: {  	_ =	shalt  }
0x58: {  	_ =	shalt  }
0x59: {  	_ =	shalt  }
0x5a: {  	_ =	shalt  }
0x5b: {  	_ =	shalt  }
0x5c: {  	_ =	shalt  }
0x5d: {  	_ =	shalt  }
0x5e: {  	_ =	shalt  }
0x5f: {  	_ =	shalt  }
0x60: {  	_ =	shalt  }
0x61: {  	_ =	shalt  }
0x62: {  	_ =	shalt  }
0x63: {  	_ =	shalt  }
0x64: {  	_ =	shalt  }
0x65: {  	_ =	shalt  }
0x66: {  	_ =	shalt  }
0x67: {  	_ =	shalt  }
0x68: {  	_ =	shalt  }
0x69: {  	_ =	shalt  }
0x6a: {  	_ =	shalt  }
0x6b: {  	_ =	shalt  }
0x6c: {  	_ =	shalt  }
0x6d: {  	_ =	shalt  }
0x6e: {  	_ =	shalt  }
0x6f: {  	_ =	shalt  }
0x70: {  	_ =	shalt  }
0x71: {  	_ =	shalt  }
0x72: {  	_ =	shalt  }
0x73: {  	_ =	shalt  }
0x74: {  	_ =	shalt  }
0x75: {  	_ =	shalt  }
0x76: {  	_ =	shalt  }
0x77: {  	_ =	shalt  }
0x78: {  	_ =	shalt  }
0x79: {  	_ =	shalt  }
0x7a: {  	_ =	shalt  }
0x7b: {  	_ =	shalt  }
0x7c: {  	_ =	shalt  }
0x7d: {  	_ =	shalt  }
0x7e: {  	_ =	shalt  }
0x7f: {  	_ =	shalt  }
0x80: {  	_ =	shalt  }
0x81: {  	_ =	shalt  }
0x82: {  	_ =	shalt  }
0x83: {  	_ =	shalt  }
0x84: {  	_ =	shalt  }
0x85: {  	_ =	shalt  }
0x86: {  	_ =	shalt  }
0x87: {  	_ =	shalt  }
.Lfunc_end0:
.L_simem_size_0:
called_computation_lowered:
.L_overlay_start_0:
0x88: {  	s2 =	sld [smem:$0x3FD9]  }
0x89: {  	s3 =	sld [smem:$0x3FFE];
	_ =	sdelay $0x1  }
0x8a: {  	s1 =	srdreg.scid  }
0x8b: {  	s0 =	sand.u32 $0x1, s1  }
0x8c: {  	s18 =	sshll.u32 s0, $0xA;
	s2 =	sadd.s32 s3, s2  }
0x8d: {  	s2 =	sadd.s32 s2, s18  }
0x8e: {  	[smem:$0x3FC4] =	sst s2  }
0x8f: {  	_ = 	snop  }
0x90: {  	s2 =	sld [smem:$0x3FC9]  }
0x91: {  	s19 =	sld [smem:$0x3FC8]  }
0x92: {  	s4 =	sld [smem:$0x3FC7]  }
0x93: {  	s5 =	sld [smem:$0x3FC6]  }
0x94: {  	s6 =	sld [smem:$0x3FD0];
	(tm) =	ssettm $0x1  }
0x95: {  	s7 =	sld [smem:$0x3FFB];
	_ =	sdelay $0x3  }
0x96: {  	_ =	strace s7  }
0x97: {  	s7 =	sld [smem:$0x3FFC];
	_ =	sdelay $0x3  }
0x98: {  	_ =	strace s7  }
0x99: {  	s7 =	sld [smem:$0x3FFD];
	_ =	sdelay $0x3  }
0x9a: {  	_ =	strace s7  }
0x9b: {  	_ =	strace $0x8FFFFFFF  }
0x9c: {  	s20 =	sld [smem:$0x3FDB];
	_ =	sdelay $0x1  }
0x9d: {  	s8 =	simm.s32 $_scs_section_size  }
0x9e: {  	s9 =	simm.s32 $_size__tile_overlayer_lowered;
	s10 =	simm.s32 $_tile_overlayer_lowered  }
0x9f: {  	s23 =	simm.s32 $0x1BFF;
	s22 =	sshll.u32 s10, $0x1;
	s7 =	sadd.s32 s8, s20  }
0xa0: {  	s11 =	simm.s32 $0x0;
	s21 =	sshll.u32 s9, $0x1;
	s9 =	sadd.s32 s22, s7  }
0xa1: {  	[timem:s11], [sflag:s23] =	dma.local [hbm:s9], s21  }
0xa2: {  	_ =	swait.ge [sflag:s23], s21  }
0xa3: {  	s8 =	ssub.s32 $0x0, s21;
	[sflag:s23] =	ssyncset.done $0x0  }
0xa4: {  	[sflag:s23] =	ssyncadd.s32 s8;
	_ =	sdelay $0x1  }
0xa5: {  	s24 =	simm.s32 $0x1B8B  }
0xa6: {  	_ =	swait.ge [sflag:s24], $0x1  }
0xa7: {  	[sflag:s24] =	ssyncset.done $0x0  }
0xa8: {  	s25 =	simm.s32 $0x1B8E;
	[sflag:s24] =	ssyncadd.s32 $0xFFFFFFFF  }
0xa9: {  	s26 =	simm.s32 $execute0_lowered;
	[smem:$0x3FD2] =	sst s25  }
0xaa: {  	s8 =	sshll.u32 s26, $0x1;
	_ =	strace $0x80000046;
	[dreg:$0x1] =	wrdreg $0xFFFFFFFF  }
0xab: {  	s28 =	simm.s32 $_size_execute0_lowered;
	s7 =	sadd.s32 s7, s8;
	[dreg:$0x0] =	wrdreg $0x0  }
0xac: {  	s8 =	sshll.u32 s28, $0x1;
	[dreg:$0x2] =	wrdreg s7  }
0xad: {  	[dreg:$0x3] =	wrdreg s8  }
0xae: {  	[dreg:$0x4] =	wrdreg $0xC0  }
0xaf: {  	_ =	task [dreg:s11], $0x5FFFF  }
0xb0: {  	[dreg:$0x1] =	wrdreg $0xFFFFFFFF  }
0xb1: {  	[dreg:$0x0] =	wrdreg $0x60  }
0xb2: {  	[dreg:$0x2] =	wrdreg s2  }
0xb3: {  	[dreg:$0x3] =	wrdreg s19  }
0xb4: {  	[dreg:$0x4] =	wrdreg s5  }
0xb5: {  	[dreg:$0x5] =	wrdreg s4  }
0xb6: {  	[dreg:$0x6] =	wrdreg s6  }
0xb7: {  	[dreg:$0x7] =	wrdreg $0x9  }
0xb8: {  	_ =	task.clear_ibuf [dreg:s11], $0x8FFFF;
	_ =	strace $0x90000046  }
0xb9: {  	s29 =	simm.s32 $0x9;
	_ =	strace $0x80000048  }
0xba: {  	_ =	swait.ge [sflag:s29], $0x1  }
0xbb: {  	[sflag:s29] =	ssyncadd.s32 $0xFFFFFFFF  }
0xbc: {  	_ =	strace $0x90000048  }
0xbd: {  	_ =	sfence  }
0xbe: {  	s30 =	sld [smem:$0x0];
	_ =	sdelay $0x2  }
0xbf: {  	s31 =	sshll.u32 s1, $0xD;
	s1 =	sshrl.u32 s1, $0x2  }
0xc0: {  	s3 =	sand.u32 $0x4000, s31;
	s1 =	sadd.s32 s1, s30  }
0xc1: {  	s0 =	sor.u32 s3, s0;
	s1 =	sshll.u32 s1, $0x11  }
0xc2: {  	s0 =	sor.u32 s1, s0  }
0xc3: {  	s0 =	sadd.s32 $0x8F2B, s0  }
0xc4: {  	[sflag:s0] =	ssyncadd.remote.s32 $0x1  }
0xc5: {  	_ =	sfence.sel $0xFFFF  }
0xc6: {  	[dreg:$0x0] =	wrdreg $0xFFFFFFFF;
	(pc) =	sbr.abs _section_cstart, $3  }
0xc7: {  	[dreg:$0x1] =	wrdreg $0xFFFFFFFF  }
0xc8: {  	_ =	task.clear_ibuf [dreg:s11], $0x2FFFF;
	_ =	strace $0x9FFFFFFF  }
0xc9: {  	(tm) =	ssettm $0x7FFFFFFF  }
tec
execute0_lowered:
.L_overlay_start_1:
0x0: {  	(tag) =	ssettag $0x1  }
0x1: {  	s5 =	rddreg [dreg:$0x0]  }
0x2: {  	s6 =	rddreg [dreg:$0x1]  }
0x3: {  	s0 =	rddreg [dreg:$0x2]  }
0x4: {  	s1 =	rddreg [dreg:$0x3];
	s3 =	srdreg.scid  }
0x5: {  	s2 =	stileid.u32;
	s7 =	rddreg [dreg:$0x4]  }
0x6: {  	s13 =	simm.s32 $0x1;
	s14 =	simm.s32 $0xB680;
	s15 =	simm.s32 $0x0  }
0x7: {  	s8 =	sand.u32 $0x1, s3;
	s4 =	sshll.u32 s2, $0x1;
	s3 =	rddreg [dreg:$0x5]  }
0x8: {  	v1 =	vlaneseq.u32;
	v26 =	vimm.s32 $0x1A;
	s9 =	sor.u32 s8, s4;
	s4 =	simm.s32 $0x0;
	s8 =	ssub.s32 $0x2, s8  }
0x9: {  	v27 =	vimm.s32 $0x1B;
	v28 =	vimm.s32 $0x1C;
	v29 =	vimm.s32 $0x1D;
	s10 =	smul.u32 $0x680, s9;
	[smem:$0x7FF] =	sst s4;
	s11 =	sshrl.u32 s8, $0x1  }
0xa: {  	v30 =	vimm.s32 $0x1E;
	v31 =	vimm.s32 $0x1F;
	v32 =	vimm.s32 $0x20;
	s12 =	smul.u32 $0x340, s9;
	s9 =	sshll.u32 s9, $0x6;
	_ =	strace $0x80000047  }
0xb: {  	v33 =	vimm.s32 $0x21;
	v34 =	vimm.s32 $0x22;
	v35 =	vimm.s32 $0x23;
	s8 =	ssub.s32 s8, s11;
	s7 =	sadd.s32 s7, s9;
	s9 =	simm.s32 $0x2  }
0xc: {  	v36 =	vimm.s32 $0x24;
	v37 =	vimm.s32 $0x25;
	v40 =	vmul.u32 $0xD, v1;
	s11 =	simm.s32 $0x4E00;
	s5 =	sadd.s32 s5, s10;
	s6 =	sadd.s32 s6, s12  }
0xd: {  	v38 =	vimm.s32 $0x26;
	v39 =	vimm.s32 $0x27;
	v0 =	vmul.u32 $0x1A, v1;
	s8 =	smax.u32 s8, $0x1;
	s10 =	simm.s32 $0x3400;
	s12 =	simm.s32 $0x4E80  }
.LBB2_1:
0xe: {  	[tilespmem:s4], [sflag:$0x2] =	stream.linear.gather [hbm4b:s5+s4], $0x3400, $0x38;
	[tilespmem:$0xB880] =	vst v63  }
0xf: {  	_ =	swait.ge [sflag:s9], $0x3400  }
0x10: {  	[sflag:s9] =	ssyncset.done $0x0  }
0x11: {  	[sflag:s9] =	ssyncadd.s32 $0xFFFFCC00  }
0x12: {  	[tilespmem:s10], [sflag:$0x2] =	stream.linear.gather [hbm4b:s6+s4], $0x1A00, $0x38;
	[tilespmem:$0xB880] =	vst v63  }
0x13: {  	_ =	swait.ge [sflag:s9], $0x1A00  }
0x14: {  	[sflag:s9] =	ssyncset.done $0x0  }
0x15: {  	v1 =	vadd.s32 s4, v0;
	[sflag:s9] =	ssyncadd.s32 $0xFFFFE600  }
0x16: {  	[tilespmem:s11], [sflag:$0x2] =	stream.linear.gather [hbm4b:s0+s4], $0x80, $0x38;
	[tilespmem:$0xB880] =	vst v63  }
0x17: {  	_ =	swait.ge [sflag:s9], $0x80  }
0x18: {  	[sflag:s9] =	ssyncset.done $0x0  }
0x19: {  	[sflag:s9] =	ssyncadd.s32 $0xFFFFFF80  }
0x1a: {  	v1 =	vld.idx.msk [tilespmem:v1+s4+$0x0], $0xffff  }
0x1b: {  	s16 =	simm.s32 $0x1A0  }
0x1c: {  	v2 =	vadd.s32 s16, v0;
	_ =	sdelay $0x2  }
0x1d: {  	s16 =	simm.s32 $0x4F80;
	v1 =	vadd.s32 s4, v1  }
0x1e: {  	[tilespmem:s16+$0xFFFFFF00] =	vst v1  }
0x1f: {  	v1 =	vld.idx.msk [tilespmem:v2+s4+$0x0], $0xffff  }
0x20: {  	s17 =	simm.s32 $0x340  }
0x21: {  	v2 =	vadd.s32 s17, v0;
	_ =	sdelay $0x2  }
0x22: {  	v1 =	vadd.s32 s4, v1  }
0x23: {  	[tilespmem:s16+$0xFFFFFF10] =	vst v1  }
0x24: {  	v1 =	vld.idx.msk [tilespmem:v2+s4+$0x0], $0xffff  }
0x25: {  	s29 =	simm.s32 $0x4E0  }
0x26: {  	v2 =	vadd.s32 s29, v0;
	_ =	sdelay $0x2  }
0x27: {  	v1 =	vadd.s32 s4, v1  }
0x28: {  	[tilespmem:s16+$0xFFFFFF20] =	vst v1  }
0x29: {  	v1 =	vld.idx.msk [tilespmem:v2+s4+$0x0], $0xffff  }
0x2a: {  	s30 =	simm.s32 $0x680  }
0x2b: {  	v2 =	vadd.s32 s30, v0;
	_ =	sdelay $0x2  }
0x2c: {  	v1 =	vadd.s32 s4, v1  }
0x2d: {  	[tilespmem:s16+$0xFFFFFF30] =	vst v1  }
0x2e: {  	v1 =	vld.idx.msk [tilespmem:v2+s4+$0x0], $0xffff  }
0x2f: {  	s31 =	simm.s32 $0x820  }
0x30: {  	v2 =	vadd.s32 s31, v0;
	_ =	sdelay $0x2  }
0x31: {  	v1 =	vadd.s32 s4, v1  }
0x32: {  	[tilespmem:s16+$0xFFFFFF40] =	vst v1  }
0x33: {  	v1 =	vld.idx.msk [tilespmem:v2+s4+$0x0], $0xffff  }
0x34: {  	s18 =	simm.s32 $0x9C0  }
0x35: {  	v2 =	vadd.s32 s18, v0;
	_ =	sdelay $0x2  }
0x36: {  	v1 =	vadd.s32 s4, v1  }
0x37: {  	[tilespmem:s16+$0xFFFFFF50] =	vst v1  }
0x38: {  	v1 =	vld.idx.msk [tilespmem:v2+s4+$0x0], $0xffff  }
0x39: {  	s19 =	simm.s32 $0xB60  }
0x3a: {  	v2 =	vadd.s32 s19, v0;
	_ =	sdelay $0x2  }
0x3b: {  	v1 =	vadd.s32 s4, v1  }
0x3c: {  	[tilespmem:s16+$0xFFFFFF60] =	vst v1  }
0x3d: {  	v1 =	vld.idx.msk [tilespmem:v2+s4+$0x0], $0xffff  }
0x3e: {  	s20 =	simm.s32 $0xD00  }
0x3f: {  	v2 =	vadd.s32 s20, v0;
	_ =	sdelay $0x2  }
0x40: {  	v1 =	vadd.s32 s4, v1  }
0x41: {  	[tilespmem:s16+$0xFFFFFF70] =	vst v1  }
0x42: {  	v1 =	vld.idx.msk [tilespmem:v2+s4+$0x0], $0xffff  }
0x43: {  	s21 =	simm.s32 $0xEA0  }
0x44: {  	v2 =	vadd.s32 s21, v0;
	_ =	sdelay $0x2  }
0x45: {  	v1 =	vadd.s32 s4, v1  }
0x46: {  	[tilespmem:s16+$0xFFFFFF80] =	vst v1  }
0x47: {  	v1 =	vld.idx.msk [tilespmem:v2+s4+$0x0], $0xffff  }
0x48: {  	s22 =	simm.s32 $0x1040  }
0x49: {  	v2 =	vadd.s32 s22, v0;
	_ =	sdelay $0x2  }
0x4a: {  	v1 =	vadd.s32 s4, v1  }
0x4b: {  	[tilespmem:s16+$0xFFFFFF90] =	vst v1  }
0x4c: {  	v1 =	vld.idx.msk [tilespmem:v2+s4+$0x0], $0xffff  }
0x4d: {  	s23 =	simm.s32 $0x11E0  }
0x4e: {  	v2 =	vadd.s32 s23, v0;
	_ =	sdelay $0x2  }
0x4f: {  	v1 =	vadd.s32 s4, v1  }
0x50: {  	[tilespmem:s16+$0xFFFFFFA0] =	vst v1  }
0x51: {  	v1 =	vld.idx.msk [tilespmem:v2+s4+$0x0], $0xffff  }
0x52: {  	s24 =	simm.s32 $0x1380  }
0x53: {  	v2 =	vadd.s32 s24, v0;
	_ =	sdelay $0x2  }
0x54: {  	v1 =	vadd.s32 s4, v1  }
0x55: {  	[tilespmem:s16+$0xFFFFFFB0] =	vst v1  }
0x56: {  	v1 =	vld.idx.msk [tilespmem:v2+s4+$0x0], $0xffff  }
0x57: {  	s25 =	simm.s32 $0x1520  }
0x58: {  	v2 =	vadd.s32 s25, v0;
	_ =	sdelay $0x2  }
0x59: {  	v1 =	vadd.s32 s4, v1  }
0x5a: {  	[tilespmem:s16+$0xFFFFFFC0] =	vst v1  }
0x5b: {  	v1 =	vld.idx.msk [tilespmem:v2+s4+$0x0], $0xffff  }
0x5c: {  	s26 =	simm.s32 $0x16C0  }
0x5d: {  	v2 =	vadd.s32 s26, v0;
	_ =	sdelay $0x2  }
0x5e: {  	v1 =	vadd.s32 s4, v1  }
0x5f: {  	[tilespmem:s16+$0xFFFFFFD0] =	vst v1  }
0x60: {  	v1 =	vld.idx.msk [tilespmem:v2+s4+$0x0], $0xffff  }
0x61: {  	s28 =	simm.s32 $0x1860  }
0x62: {  	v2 =	vadd.s32 s28, v0;
	_ =	sdelay $0x2  }
0x63: {  	v1 =	vadd.s32 s4, v1  }
0x64: {  	[tilespmem:s16+$0xFFFFFFE0] =	vst v1  }
0x65: {  	v1 =	vld.idx.msk [tilespmem:v2+s4+$0x0], $0xffff  }
0x66: {  	s29 =	simm.s32 $0x1A00  }
0x67: {  	v2 =	vadd.s32 s29, v0;
	_ =	sdelay $0x2  }
0x68: {  	v1 =	vadd.s32 s4, v1  }
0x69: {  	[tilespmem:s16+$0xFFFFFFF0] =	vst v1  }
0x6a: {  	v1 =	vld.idx.msk [tilespmem:v2+s4+$0x0], $0xffff  }
0x6b: {  	s30 =	simm.s32 $0x1BA0  }
0x6c: {  	v2 =	vadd.s32 s30, v0;
	_ =	sdelay $0x2  }
0x6d: {  	v1 =	vadd.s32 s4, v1  }
0x6e: {  	[tilespmem:s16+$0x0] =	vst v1  }
0x6f: {  	v1 =	vld.idx.msk [tilespmem:v2+s4+$0x0], $0xffff  }
0x70: {  	s31 =	simm.s32 $0x1D40  }
0x71: {  	v2 =	vadd.s32 s31, v0;
	_ =	sdelay $0x2  }
0x72: {  	v1 =	vadd.s32 s4, v1  }
0x73: {  	[tilespmem:s16+$0x10] =	vst v1  }
0x74: {  	v1 =	vld.idx.msk [tilespmem:v2+s4+$0x0], $0xffff  }
0x75: {  	s18 =	simm.s32 $0x1EE0  }
0x76: {  	v2 =	vadd.s32 s18, v0;
	_ =	sdelay $0x2  }
0x77: {  	v1 =	vadd.s32 s4, v1  }
0x78: {  	[tilespmem:s16+$0x20] =	vst v1  }
0x79: {  	v1 =	vld.idx.msk [tilespmem:v2+s4+$0x0], $0xffff  }
0x7a: {  	s19 =	simm.s32 $0x2080  }
0x7b: {  	v2 =	vadd.s32 s19, v0;
	_ =	sdelay $0x2  }
0x7c: {  	v1 =	vadd.s32 s4, v1  }
0x7d: {  	[tilespmem:s16+$0x30] =	vst v1  }
0x7e: {  	v1 =	vld.idx.msk [tilespmem:v2+s4+$0x0], $0xffff  }
0x7f: {  	s20 =	simm.s32 $0x2220  }
0x80: {  	v2 =	vadd.s32 s20, v0;
	_ =	sdelay $0x2  }
0x81: {  	v1 =	vadd.s32 s4, v1  }
0x82: {  	[tilespmem:s16+$0x40] =	vst v1  }
0x83: {  	v1 =	vld.idx.msk [tilespmem:v2+s4+$0x0], $0xffff  }
0x84: {  	s21 =	simm.s32 $0x23C0  }
0x85: {  	v2 =	vadd.s32 s21, v0;
	_ =	sdelay $0x2  }
0x86: {  	v1 =	vadd.s32 s4, v1  }
0x87: {  	[tilespmem:s16+$0x50] =	vst v1  }
0x88: {  	v1 =	vld.idx.msk [tilespmem:v2+s4+$0x0], $0xffff  }
0x89: {  	s22 =	simm.s32 $0x2560  }
0x8a: {  	v2 =	vadd.s32 s22, v0;
	_ =	sdelay $0x2  }
0x8b: {  	v1 =	vadd.s32 s4, v1  }
0x8c: {  	[tilespmem:s16+$0x60] =	vst v1  }
0x8d: {  	v1 =	vld.idx.msk [tilespmem:v2+s4+$0x0], $0xffff  }
0x8e: {  	s23 =	simm.s32 $0x2700  }
0x8f: {  	v2 =	vadd.s32 s23, v0;
	_ =	sdelay $0x2  }
0x90: {  	v1 =	vadd.s32 s4, v1  }
0x91: {  	[tilespmem:s16+$0x70] =	vst v1  }
0x92: {  	v1 =	vld.idx.msk [tilespmem:v2+s4+$0x0], $0xffff  }
0x93: {  	s24 =	simm.s32 $0x28A0  }
0x94: {  	v2 =	vadd.s32 s24, v0;
	_ =	sdelay $0x2  }
0x95: {  	v1 =	vadd.s32 s4, v1  }
0x96: {  	[tilespmem:s16+$0x80] =	vst v1  }
0x97: {  	v1 =	vld.idx.msk [tilespmem:v2+s4+$0x0], $0xffff  }
0x98: {  	s25 =	simm.s32 $0x2A40  }
0x99: {  	v2 =	vadd.s32 s25, v0;
	_ =	sdelay $0x2  }
0x9a: {  	v1 =	vadd.s32 s4, v1  }
0x9b: {  	[tilespmem:s16+$0x90] =	vst v1  }
0x9c: {  	v1 =	vld.idx.msk [tilespmem:v2+s4+$0x0], $0xffff  }
0x9d: {  	s26 =	simm.s32 $0x2BE0  }
0x9e: {  	v2 =	vadd.s32 s26, v0;
	_ =	sdelay $0x2  }
0x9f: {  	v1 =	vadd.s32 s4, v1  }
0xa0: {  	[tilespmem:s16+$0xA0] =	vst v1  }
0xa1: {  	v1 =	vld.idx.msk [tilespmem:v2+s4+$0x0], $0xffff  }
0xa2: {  	s28 =	simm.s32 $0x2D80  }
0xa3: {  	v2 =	vadd.s32 s28, v0;
	_ =	sdelay $0x2  }
0xa4: {  	v1 =	vadd.s32 s4, v1  }
0xa5: {  	[tilespmem:s16+$0xB0] =	vst v1  }
0xa6: {  	v1 =	vld.idx.msk [tilespmem:v2+s4+$0x0], $0xffff  }
0xa7: {  	s29 =	simm.s32 $0x2F20  }
0xa8: {  	v2 =	vadd.s32 s29, v0;
	_ =	sdelay $0x2  }
0xa9: {  	v1 =	vadd.s32 s4, v1  }
0xaa: {  	[tilespmem:s16+$0xC0] =	vst v1  }
0xab: {  	v1 =	vld.idx.msk [tilespmem:v2+s4+$0x0], $0xffff  }
0xac: {  	s30 =	simm.s32 $0x30C0  }
0xad: {  	v2 =	vadd.s32 s30, v0;
	_ =	sdelay $0x2  }
0xae: {  	v1 =	vadd.s32 s4, v1  }
0xaf: {  	[tilespmem:s16+$0xD0] =	vst v1  }
0xb0: {  	v1 =	vld.idx.msk [tilespmem:v2+s4+$0x0], $0xffff  }
0xb1: {  	s31 =	simm.s32 $0x3260  }
0xb2: {  	v2 =	vadd.s32 s31, v0;
	_ =	sdelay $0x2  }
0xb3: {  	v1 =	vadd.s32 s4, v1  }
0xb4: {  	[tilespmem:s16+$0xE0] =	vst v1  }
0xb5: {  	v2 =	vld.idx.msk [tilespmem:v2+s4+$0x0], $0xffff  }
0xb6: {  	s17 =	simm.s32 $0x1  }
0xb7: {  	s18 =	simm.s32 $0x0;
	s19 =	simm.s32 $0x2;
	v1 =	vadd.s32 s17, v0  }
.LBB2_2:
0xb8: {  	p0 =	sne.s32 s19, $0x19;
	_ =	sdelay $0x1  }
0xb9: {  	v2 =	vadd.s32 s18, v2  }
0xba: {  	[tilespmem:s16+$0xF0] =	vst v2  }
0xbb: {  	v1 =	vld.idx.msk [tilespmem:v1+s4+$0x0], $0xffff;
	_ =	sdelay $0x1  }
0xbc: {  	s20 =	sadd.s32 $0x1A0, s17  }
0xbd: {  	v2 =	vadd.s32 s20, v0;
	_ =	sdelay $0x1  }
0xbe: {  	s18 =	sadd.s32 $0xF4240, s18  }
0xbf: {  	s16 =	sadd.s32 $0x200, s16;
	v1 =	vadd.s32 s18, v1  }
0xc0: {  	[tilespmem:s16+$0xFFFFFF00] =	vst v1  }
0xc1: {  	v1 =	vld.idx.msk [tilespmem:v2+s4+$0x0], $0xffff;
	_ =	sdelay $0x1  }
0xc2: {  	s20 =	sadd.s32 $0x340, s17  }
0xc3: {  	v2 =	vadd.s32 s20, v0;
	_ =	sdelay $0x2  }
0xc4: {  	v1 =	vadd.s32 s18, v1  }
0xc5: {  	[tilespmem:s16+$0xFFFFFF10] =	vst v1  }
0xc6: {  	v1 =	vld.idx.msk [tilespmem:v2+s4+$0x0], $0xffff;
	_ =	sdelay $0x1  }
0xc7: {  	s20 =	sadd.s32 $0x4E0, s17  }
0xc8: {  	v2 =	vadd.s32 s20, v0;
	_ =	sdelay $0x2  }
0xc9: {  	v1 =	vadd.s32 s18, v1  }
0xca: {  	[tilespmem:s16+$0xFFFFFF20] =	vst v1  }
0xcb: {  	v1 =	vld.idx.msk [tilespmem:v2+s4+$0x0], $0xffff;
	_ =	sdelay $0x1  }
0xcc: {  	s20 =	sadd.s32 $0x680, s17  }
0xcd: {  	v2 =	vadd.s32 s20, v0;
	_ =	sdelay $0x2  }
0xce: {  	v1 =	vadd.s32 s18, v1  }
0xcf: {  	[tilespmem:s16+$0xFFFFFF30] =	vst v1  }
0xd0: {  	v1 =	vld.idx.msk [tilespmem:v2+s4+$0x0], $0xffff;
	_ =	sdelay $0x1  }
0xd1: {  	s20 =	sadd.s32 $0x820, s17  }
0xd2: {  	v2 =	vadd.s32 s20, v0;
	_ =	sdelay $0x2  }
0xd3: {  	v1 =	vadd.s32 s18, v1  }
0xd4: {  	[tilespmem:s16+$0xFFFFFF40] =	vst v1  }
0xd5: {  	v1 =	vld.idx.msk [tilespmem:v2+s4+$0x0], $0xffff;
	_ =	sdelay $0x1  }
0xd6: {  	s20 =	sadd.s32 $0x9C0, s17  }
0xd7: {  	v2 =	vadd.s32 s20, v0;
	_ =	sdelay $0x2  }
0xd8: {  	v1 =	vadd.s32 s18, v1  }
0xd9: {  	[tilespmem:s16+$0xFFFFFF50] =	vst v1  }
0xda: {  	v1 =	vld.idx.msk [tilespmem:v2+s4+$0x0], $0xffff;
	_ =	sdelay $0x1  }
0xdb: {  	s20 =	sadd.s32 $0xB60, s17  }
0xdc: {  	v2 =	vadd.s32 s20, v0;
	_ =	sdelay $0x2  }
0xdd: {  	v1 =	vadd.s32 s18, v1  }
0xde: {  	[tilespmem:s16+$0xFFFFFF60] =	vst v1  }
0xdf: {  	v1 =	vld.idx.msk [tilespmem:v2+s4+$0x0], $0xffff;
	_ =	sdelay $0x1  }
0xe0: {  	s20 =	sadd.s32 $0xD00, s17  }
0xe1: {  	v2 =	vadd.s32 s20, v0;
	_ =	sdelay $0x2  }
0xe2: {  	v1 =	vadd.s32 s18, v1  }
0xe3: {  	[tilespmem:s16+$0xFFFFFF70] =	vst v1  }
0xe4: {  	v1 =	vld.idx.msk [tilespmem:v2+s4+$0x0], $0xffff;
	_ =	sdelay $0x1  }
0xe5: {  	s20 =	sadd.s32 $0xEA0, s17  }
0xe6: {  	v2 =	vadd.s32 s20, v0;
	_ =	sdelay $0x2  }
0xe7: {  	v1 =	vadd.s32 s18, v1  }
0xe8: {  	[tilespmem:s16+$0xFFFFFF80] =	vst v1  }
0xe9: {  	v1 =	vld.idx.msk [tilespmem:v2+s4+$0x0], $0xffff;
	_ =	sdelay $0x1  }
0xea: {  	s20 =	sadd.s32 $0x1040, s17  }
0xeb: {  	v2 =	vadd.s32 s20, v0;
	_ =	sdelay $0x2  }
0xec: {  	v1 =	vadd.s32 s18, v1  }
0xed: {  	[tilespmem:s16+$0xFFFFFF90] =	vst v1  }
0xee: {  	v1 =	vld.idx.msk [tilespmem:v2+s4+$0x0], $0xffff;
	_ =	sdelay $0x1  }
0xef: {  	s20 =	sadd.s32 $0x11E0, s17  }
0xf0: {  	v2 =	vadd.s32 s20, v0;
	_ =	sdelay $0x2  }
0xf1: {  	v1 =	vadd.s32 s18, v1  }
0xf2: {  	[tilespmem:s16+$0xFFFFFFA0] =	vst v1  }
0xf3: {  	v1 =	vld.idx.msk [tilespmem:v2+s4+$0x0], $0xffff;
	_ =	sdelay $0x1  }
0xf4: {  	s20 =	sadd.s32 $0x1380, s17  }
0xf5: {  	v2 =	vadd.s32 s20, v0;
	_ =	sdelay $0x2  }
0xf6: {  	v1 =	vadd.s32 s18, v1  }
0xf7: {  	[tilespmem:s16+$0xFFFFFFB0] =	vst v1  }
0xf8: {  	v1 =	vld.idx.msk [tilespmem:v2+s4+$0x0], $0xffff;
	_ =	sdelay $0x1  }
0xf9: {  	s20 =	sadd.s32 $0x1520, s17  }
0xfa: {  	v2 =	vadd.s32 s20, v0;
	_ =	sdelay $0x2  }
0xfb: {  	v1 =	vadd.s32 s18, v1  }
0xfc: {  	[tilespmem:s16+$0xFFFFFFC0] =	vst v1  }
0xfd: {  	v1 =	vld.idx.msk [tilespmem:v2+s4+$0x0], $0xffff;
	_ =	sdelay $0x1  }
0xfe: {  	s20 =	sadd.s32 $0x16C0, s17  }
0xff: {  	v2 =	vadd.s32 s20, v0;
	_ =	sdelay $0x2  }
0x100: {  	v1 =	vadd.s32 s18, v1  }
0x101: {  	[tilespmem:s16+$0xFFFFFFD0] =	vst v1  }
0x102: {  	v1 =	vld.idx.msk [tilespmem:v2+s4+$0x0], $0xffff;
	_ =	sdelay $0x1  }
0x103: {  	s20 =	sadd.s32 $0x1860, s17  }
0x104: {  	v2 =	vadd.s32 s20, v0;
	_ =	sdelay $0x2  }
0x105: {  	v1 =	vadd.s32 s18, v1  }
0x106: {  	[tilespmem:s16+$0xFFFFFFE0] =	vst v1  }
0x107: {  	v1 =	vld.idx.msk [tilespmem:v2+s4+$0x0], $0xffff;
	_ =	sdelay $0x1  }
0x108: {  	s20 =	sadd.s32 $0x1A00, s17  }
0x109: {  	v2 =	vadd.s32 s20, v0;
	_ =	sdelay $0x2  }
0x10a: {  	v1 =	vadd.s32 s18, v1  }
0x10b: {  	[tilespmem:s16+$0xFFFFFFF0] =	vst v1  }
0x10c: {  	v1 =	vld.idx.msk [tilespmem:v2+s4+$0x0], $0xffff;
	_ =	sdelay $0x1  }
0x10d: {  	s20 =	sadd.s32 $0x1BA0, s17  }
0x10e: {  	v2 =	vadd.s32 s20, v0;
	_ =	sdelay $0x2  }
0x10f: {  	v1 =	vadd.s32 s18, v1  }
0x110: {  	[tilespmem:s16+$0x0] =	vst v1  }
0x111: {  	v1 =	vld.idx.msk [tilespmem:v2+s4+$0x0], $0xffff;
	_ =	sdelay $0x1  }
0x112: {  	s20 =	sadd.s32 $0x1D40, s17  }
0x113: {  	v2 =	vadd.s32 s20, v0;
	_ =	sdelay $0x2  }
0x114: {  	v1 =	vadd.s32 s18, v1  }
0x115: {  	[tilespmem:s16+$0x10] =	vst v1  }
0x116: {  	v1 =	vld.idx.msk [tilespmem:v2+s4+$0x0], $0xffff;
	_ =	sdelay $0x1  }
0x117: {  	s20 =	sadd.s32 $0x1EE0, s17  }
0x118: {  	v2 =	vadd.s32 s20, v0;
	_ =	sdelay $0x2  }
0x119: {  	v1 =	vadd.s32 s18, v1  }
0x11a: {  	[tilespmem:s16+$0x20] =	vst v1  }
0x11b: {  	v1 =	vld.idx.msk [tilespmem:v2+s4+$0x0], $0xffff;
	_ =	sdelay $0x1  }
0x11c: {  	s20 =	sadd.s32 $0x2080, s17  }
0x11d: {  	v2 =	vadd.s32 s20, v0;
	_ =	sdelay $0x2  }
0x11e: {  	v1 =	vadd.s32 s18, v1  }
0x11f: {  	[tilespmem:s16+$0x30] =	vst v1  }
0x120: {  	v1 =	vld.idx.msk [tilespmem:v2+s4+$0x0], $0xffff;
	_ =	sdelay $0x1  }
0x121: {  	s20 =	sadd.s32 $0x2220, s17  }
0x122: {  	v2 =	vadd.s32 s20, v0;
	_ =	sdelay $0x2  }
0x123: {  	v1 =	vadd.s32 s18, v1  }
0x124: {  	[tilespmem:s16+$0x40] =	vst v1  }
0x125: {  	v1 =	vld.idx.msk [tilespmem:v2+s4+$0x0], $0xffff;
	_ =	sdelay $0x1  }
0x126: {  	s20 =	sadd.s32 $0x23C0, s17  }
0x127: {  	v2 =	vadd.s32 s20, v0;
	_ =	sdelay $0x2  }
0x128: {  	v1 =	vadd.s32 s18, v1  }
0x129: {  	[tilespmem:s16+$0x50] =	vst v1  }
0x12a: {  	v1 =	vld.idx.msk [tilespmem:v2+s4+$0x0], $0xffff;
	_ =	sdelay $0x1  }
0x12b: {  	s20 =	sadd.s32 $0x2560, s17  }
0x12c: {  	v2 =	vadd.s32 s20, v0;
	_ =	sdelay $0x2  }
0x12d: {  	v1 =	vadd.s32 s18, v1  }
0x12e: {  	[tilespmem:s16+$0x60] =	vst v1  }
0x12f: {  	v1 =	vld.idx.msk [tilespmem:v2+s4+$0x0], $0xffff;
	_ =	sdelay $0x1  }
0x130: {  	s20 =	sadd.s32 $0x2700, s17  }
0x131: {  	v2 =	vadd.s32 s20, v0;
	_ =	sdelay $0x2  }
0x132: {  	v1 =	vadd.s32 s18, v1  }
0x133: {  	[tilespmem:s16+$0x70] =	vst v1  }
0x134: {  	v1 =	vld.idx.msk [tilespmem:v2+s4+$0x0], $0xffff;
	_ =	sdelay $0x1  }
0x135: {  	s20 =	sadd.s32 $0x28A0, s17  }
0x136: {  	v2 =	vadd.s32 s20, v0;
	_ =	sdelay $0x2  }
0x137: {  	v1 =	vadd.s32 s18, v1  }
0x138: {  	[tilespmem:s16+$0x80] =	vst v1  }
0x139: {  	v1 =	vld.idx.msk [tilespmem:v2+s4+$0x0], $0xffff;
	_ =	sdelay $0x1  }
0x13a: {  	s20 =	sadd.s32 $0x2A40, s17  }
0x13b: {  	v2 =	vadd.s32 s20, v0;
	_ =	sdelay $0x2  }
0x13c: {  	v1 =	vadd.s32 s18, v1  }
0x13d: {  	[tilespmem:s16+$0x90] =	vst v1  }
0x13e: {  	v1 =	vld.idx.msk [tilespmem:v2+s4+$0x0], $0xffff;
	_ =	sdelay $0x1  }
0x13f: {  	s20 =	sadd.s32 $0x2BE0, s17  }
0x140: {  	v2 =	vadd.s32 s20, v0;
	_ =	sdelay $0x2  }
0x141: {  	v1 =	vadd.s32 s18, v1  }
0x142: {  	[tilespmem:s16+$0xA0] =	vst v1  }
0x143: {  	v1 =	vld.idx.msk [tilespmem:v2+s4+$0x0], $0xffff;
	_ =	sdelay $0x1  }
0x144: {  	s20 =	sadd.s32 $0x2D80, s17  }
0x145: {  	v2 =	vadd.s32 s20, v0;
	_ =	sdelay $0x2  }
0x146: {  	v1 =	vadd.s32 s18, v1  }
0x147: {  	[tilespmem:s16+$0xB0] =	vst v1  }
0x148: {  	v1 =	vld.idx.msk [tilespmem:v2+s4+$0x0], $0xffff;
	_ =	sdelay $0x1  }
0x149: {  	s20 =	sadd.s32 $0x2F20, s17  }
0x14a: {  	v2 =	vadd.s32 s20, v0;
	_ =	sdelay $0x2  }
0x14b: {  	v1 =	vadd.s32 s18, v1  }
0x14c: {  	[tilespmem:s16+$0xC0] =	vst v1  }
0x14d: {  	v1 =	vld.idx.msk [tilespmem:v2+s4+$0x0], $0xffff;
	_ =	sdelay $0x1  }
0x14e: {  	s20 =	sadd.s32 $0x30C0, s17  }
0x14f: {  	v2 =	vadd.s32 s20, v0;
	_ =	sdelay $0x2  }
0x150: {  	v1 =	vadd.s32 s18, v1  }
0x151: {  	[tilespmem:s16+$0xD0] =	vst v1  }
0x152: {  	v1 =	vld.idx.msk [tilespmem:v2+s4+$0x0], $0xffff;
	_ =	sdelay $0x1  }
0x153: {  	s20 =	sadd.s32 $0x3260, s17;
	s17 =	smov.u32 s19  }
0x154: {  	v2 =	vadd.s32 s20, v0;
	_ =	sdelay $0x2  }
0x155: {  	v1 =	vadd.s32 s18, v1  }
.Ltmp0:
0x156: {  	[tilespmem:s16+$0xE0] =	vst v1;
	(pc) =	sbr.rel @p0 .LBB2_2-.Ltmp0, $2  }
0x157: {  	v2 =	vld.idx.msk [tilespmem:v2+s4+$0x0], $0xffff;
	_ =	sdelay $0x2  }
0x158: {  	s19 =	sadd.s32 $0x1, s19;
	v1 =	vadd.s32 s17, v0  }
0x159: {  	_ =	sdelay $0x1  }
0x15a: {  	v2 =	vadd.s32 s18, v2  }
0x15b: {  	[tilespmem:s16+$0xF0] =	vst v2  }
0x15c: {  	v1 =	vld.idx.msk [tilespmem:v1+s4+$0x0], $0xffff  }
0x15d: {  	s19 =	sadd.s32 $0x1A0, s17  }
0x15e: {  	v2 =	vadd.s32 s19, v0;
	_ =	sdelay $0x1  }
0x15f: {  	s18 =	sadd.s32 $0xF4240, s18  }
0x160: {  	s16 =	sadd.s32 $0x200, s16;
	v1 =	vadd.s32 s18, v1  }
0x161: {  	[tilespmem:s16+$0xFFFFFF00] =	vst v1  }
0x162: {  	v1 =	vld.idx.msk [tilespmem:v2+s4+$0x0], $0xffff  }
0x163: {  	s22 =	sadd.s32 $0x340, s17  }
0x164: {  	v2 =	vadd.s32 s22, v0;
	_ =	sdelay $0x2  }
0x165: {  	v1 =	vadd.s32 s18, v1  }
0x166: {  	[tilespmem:s16+$0xFFFFFF10] =	vst v1  }
0x167: {  	v1 =	vld.idx.msk [tilespmem:v2+s4+$0x0], $0xffff  }
0x168: {  	s23 =	sadd.s32 $0x4E0, s17  }
0x169: {  	v2 =	vadd.s32 s23, v0;
	_ =	sdelay $0x2  }
0x16a: {  	v1 =	vadd.s32 s18, v1  }
0x16b: {  	[tilespmem:s16+$0xFFFFFF20] =	vst v1  }
0x16c: {  	v1 =	vld.idx.msk [tilespmem:v2+s4+$0x0], $0xffff  }
0x16d: {  	s24 =	sadd.s32 $0x680, s17  }
0x16e: {  	v2 =	vadd.s32 s24, v0;
	_ =	sdelay $0x2  }
0x16f: {  	v1 =	vadd.s32 s18, v1  }
0x170: {  	[tilespmem:s16+$0xFFFFFF30] =	vst v1  }
0x171: {  	v1 =	vld.idx.msk [tilespmem:v2+s4+$0x0], $0xffff  }
0x172: {  	s25 =	sadd.s32 $0x820, s17  }
0x173: {  	v2 =	vadd.s32 s25, v0;
	_ =	sdelay $0x2  }
0x174: {  	v1 =	vadd.s32 s18, v1  }
0x175: {  	[tilespmem:s16+$0xFFFFFF40] =	vst v1  }
0x176: {  	v1 =	vld.idx.msk [tilespmem:v2+s4+$0x0], $0xffff  }
0x177: {  	s26 =	sadd.s32 $0x9C0, s17  }
0x178: {  	v2 =	vadd.s32 s26, v0;
	_ =	sdelay $0x2  }
0x179: {  	v1 =	vadd.s32 s18, v1  }
0x17a: {  	[tilespmem:s16+$0xFFFFFF50] =	vst v1  }
0x17b: {  	v1 =	vld.idx.msk [tilespmem:v2+s4+$0x0], $0xffff  }
0x17c: {  	s28 =	sadd.s32 $0xB60, s17  }
0x17d: {  	v2 =	vadd.s32 s28, v0;
	_ =	sdelay $0x2  }
0x17e: {  	v1 =	vadd.s32 s18, v1  }
0x17f: {  	[tilespmem:s16+$0xFFFFFF60] =	vst v1  }
0x180: {  	v1 =	vld.idx.msk [tilespmem:v2+s4+$0x0], $0xffff  }
0x181: {  	s29 =	sadd.s32 $0xD00, s17  }
0x182: {  	v2 =	vadd.s32 s29, v0;
	_ =	sdelay $0x2  }
0x183: {  	v1 =	vadd.s32 s18, v1  }
0x184: {  	[tilespmem:s16+$0xFFFFFF70] =	vst v1  }
0x185: {  	v1 =	vld.idx.msk [tilespmem:v2+s4+$0x0], $0xffff  }
0x186: {  	s30 =	sadd.s32 $0xEA0, s17  }
0x187: {  	v2 =	vadd.s32 s30, v0;
	_ =	sdelay $0x2  }
0x188: {  	v1 =	vadd.s32 s18, v1  }
0x189: {  	[tilespmem:s16+$0xFFFFFF80] =	vst v1  }
0x18a: {  	v1 =	vld.idx.msk [tilespmem:v2+s4+$0x0], $0xffff  }
0x18b: {  	s31 =	sadd.s32 $0x1040, s17  }
0x18c: {  	v2 =	vadd.s32 s31, v0;
	_ =	sdelay $0x2  }
0x18d: {  	v1 =	vadd.s32 s18, v1  }
0x18e: {  	[tilespmem:s16+$0xFFFFFF90] =	vst v1  }
0x18f: {  	v1 =	vld.idx.msk [tilespmem:v2+s4+$0x0], $0xffff  }
0x190: {  	s20 =	sadd.s32 $0x11E0, s17  }
0x191: {  	v2 =	vadd.s32 s20, v0;
	_ =	sdelay $0x2  }
0x192: {  	v1 =	vadd.s32 s18, v1  }
0x193: {  	[tilespmem:s16+$0xFFFFFFA0] =	vst v1  }
0x194: {  	v1 =	vld.idx.msk [tilespmem:v2+s4+$0x0], $0xffff  }
0x195: {  	s21 =	sadd.s32 $0x1380, s17  }
0x196: {  	v2 =	vadd.s32 s21, v0;
	_ =	sdelay $0x2  }
0x197: {  	v1 =	vadd.s32 s18, v1  }
0x198: {  	[tilespmem:s16+$0xFFFFFFB0] =	vst v1  }
0x199: {  	v1 =	vld.idx.msk [tilespmem:v2+s4+$0x0], $0xffff  }
0x19a: {  	s22 =	sadd.s32 $0x1520, s17  }
0x19b: {  	v2 =	vadd.s32 s22, v0;
	_ =	sdelay $0x2  }
0x19c: {  	v1 =	vadd.s32 s18, v1  }
0x19d: {  	[tilespmem:s16+$0xFFFFFFC0] =	vst v1  }
0x19e: {  	v1 =	vld.idx.msk [tilespmem:v2+s4+$0x0], $0xffff  }
0x19f: {  	s23 =	sadd.s32 $0x16C0, s17  }
0x1a0: {  	v2 =	vadd.s32 s23, v0;
	_ =	sdelay $0x2  }
0x1a1: {  	v1 =	vadd.s32 s18, v1  }
0x1a2: {  	[tilespmem:s16+$0xFFFFFFD0] =	vst v1  }
0x1a3: {  	v1 =	vld.idx.msk [tilespmem:v2+s4+$0x0], $0xffff  }
0x1a4: {  	s24 =	sadd.s32 $0x1860, s17  }
0x1a5: {  	v2 =	vadd.s32 s24, v0;
	_ =	sdelay $0x2  }
0x1a6: {  	v1 =	vadd.s32 s18, v1  }
0x1a7: {  	[tilespmem:s16+$0xFFFFFFE0] =	vst v1  }
0x1a8: {  	v1 =	vld.idx.msk [tilespmem:v2+s4+$0x0], $0xffff  }
0x1a9: {  	s25 =	sadd.s32 $0x1A00, s17  }
0x1aa: {  	v2 =	vadd.s32 s25, v0;
	_ =	sdelay $0x2  }
0x1ab: {  	v1 =	vadd.s32 s18, v1  }
0x1ac: {  	[tilespmem:s16+$0xFFFFFFF0] =	vst v1  }
0x1ad: {  	v1 =	vld.idx.msk [tilespmem:v2+s4+$0x0], $0xffff  }
0x1ae: {  	s26 =	sadd.s32 $0x1BA0, s17  }
0x1af: {  	v2 =	vadd.s32 s26, v0;
	_ =	sdelay $0x2  }
0x1b0: {  	v1 =	vadd.s32 s18, v1  }
0x1b1: {  	[tilespmem:s16+$0x0] =	vst v1  }
0x1b2: {  	v1 =	vld.idx.msk [tilespmem:v2+s4+$0x0], $0xffff  }
0x1b3: {  	s28 =	sadd.s32 $0x1D40, s17  }
0x1b4: {  	v2 =	vadd.s32 s28, v0;
	_ =	sdelay $0x2  }
0x1b5: {  	v1 =	vadd.s32 s18, v1  }
0x1b6: {  	[tilespmem:s16+$0x10] =	vst v1  }
0x1b7: {  	v1 =	vld.idx.msk [tilespmem:v2+s4+$0x0], $0xffff  }
0x1b8: {  	s29 =	sadd.s32 $0x1EE0, s17  }
0x1b9: {  	v2 =	vadd.s32 s29, v0;
	_ =	sdelay $0x2  }
0x1ba: {  	v1 =	vadd.s32 s18, v1  }
0x1bb: {  	[tilespmem:s16+$0x20] =	vst v1  }
0x1bc: {  	v1 =	vld.idx.msk [tilespmem:v2+s4+$0x0], $0xffff  }
0x1bd: {  	s30 =	sadd.s32 $0x2080, s17  }
0x1be: {  	v2 =	vadd.s32 s30, v0;
	_ =	sdelay $0x2  }
0x1bf: {  	v1 =	vadd.s32 s18, v1  }
0x1c0: {  	[tilespmem:s16+$0x30] =	vst v1  }
0x1c1: {  	v1 =	vld.idx.msk [tilespmem:v2+s4+$0x0], $0xffff  }
0x1c2: {  	s31 =	sadd.s32 $0x2220, s17  }
0x1c3: {  	v2 =	vadd.s32 s31, v0;
	_ =	sdelay $0x2  }
0x1c4: {  	v1 =	vadd.s32 s18, v1  }
0x1c5: {  	[tilespmem:s16+$0x40] =	vst v1  }
0x1c6: {  	v1 =	vld.idx.msk [tilespmem:v2+s4+$0x0], $0xffff  }
0x1c7: {  	s20 =	sadd.s32 $0x23C0, s17  }
0x1c8: {  	v2 =	vadd.s32 s20, v0;
	_ =	sdelay $0x2  }
0x1c9: {  	v1 =	vadd.s32 s18, v1  }
0x1ca: {  	[tilespmem:s16+$0x50] =	vst v1  }
0x1cb: {  	v1 =	vld.idx.msk [tilespmem:v2+s4+$0x0], $0xffff  }
0x1cc: {  	s21 =	sadd.s32 $0x2560, s17  }
0x1cd: {  	v2 =	vadd.s32 s21, v0;
	_ =	sdelay $0x2  }
0x1ce: {  	v1 =	vadd.s32 s18, v1  }
0x1cf: {  	[tilespmem:s16+$0x60] =	vst v1  }
0x1d0: {  	v1 =	vld.idx.msk [tilespmem:v2+s4+$0x0], $0xffff  }
0x1d1: {  	s22 =	sadd.s32 $0x2700, s17  }
0x1d2: {  	v2 =	vadd.s32 s22, v0;
	_ =	sdelay $0x2  }
0x1d3: {  	v1 =	vadd.s32 s18, v1  }
0x1d4: {  	[tilespmem:s16+$0x70] =	vst v1  }
0x1d5: {  	v1 =	vld.idx.msk [tilespmem:v2+s4+$0x0], $0xffff  }
0x1d6: {  	s23 =	sadd.s32 $0x28A0, s17  }
0x1d7: {  	v2 =	vadd.s32 s23, v0;
	_ =	sdelay $0x2  }
0x1d8: {  	v1 =	vadd.s32 s18, v1  }
0x1d9: {  	[tilespmem:s16+$0x80] =	vst v1  }
0x1da: {  	v1 =	vld.idx.msk [tilespmem:v2+s4+$0x0], $0xffff  }
0x1db: {  	s24 =	sadd.s32 $0x2A40, s17  }
0x1dc: {  	v2 =	vadd.s32 s24, v0;
	_ =	sdelay $0x2  }
0x1dd: {  	v1 =	vadd.s32 s18, v1  }
0x1de: {  	[tilespmem:s16+$0x90] =	vst v1  }
0x1df: {  	v1 =	vld.idx.msk [tilespmem:v2+s4+$0x0], $0xffff  }
0x1e0: {  	s25 =	sadd.s32 $0x2BE0, s17  }
0x1e1: {  	v2 =	vadd.s32 s25, v0;
	_ =	sdelay $0x2  }
0x1e2: {  	v1 =	vadd.s32 s18, v1  }
0x1e3: {  	[tilespmem:s16+$0xA0] =	vst v1  }
0x1e4: {  	v1 =	vld.idx.msk [tilespmem:v2+s4+$0x0], $0xffff  }
0x1e5: {  	s26 =	sadd.s32 $0x2D80, s17  }
0x1e6: {  	v2 =	vadd.s32 s26, v0;
	_ =	sdelay $0x2  }
0x1e7: {  	v1 =	vadd.s32 s18, v1  }
0x1e8: {  	[tilespmem:s16+$0xB0] =	vst v1  }
0x1e9: {  	v1 =	vld.idx.msk [tilespmem:v2+s4+$0x0], $0xffff  }
0x1ea: {  	s28 =	sadd.s32 $0x2F20, s17  }
0x1eb: {  	v2 =	vadd.s32 s28, v0;
	_ =	sdelay $0x2  }
0x1ec: {  	v1 =	vadd.s32 s18, v1  }
0x1ed: {  	[tilespmem:s16+$0xC0] =	vst v1  }
0x1ee: {  	v1 =	vld.idx.msk [tilespmem:v2+s4+$0x0], $0xffff  }
0x1ef: {  	s29 =	sadd.s32 $0x30C0, s17  }
0x1f0: {  	v2 =	vadd.s32 s29, v0;
	_ =	sdelay $0x2  }
0x1f1: {  	v1 =	vadd.s32 s18, v1  }
0x1f2: {  	[tilespmem:s16+$0xD0] =	vst v1  }
0x1f3: {  	v1 =	vld.idx.msk [tilespmem:v2+s4+$0x0], $0xffff  }
0x1f4: {  	s30 =	sadd.s32 $0x3260, s17  }
0x1f5: {  	v2 =	vadd.s32 s30, v0;
	_ =	sdelay $0x2  }
0x1f6: {  	v1 =	vadd.s32 s18, v1  }
0x1f7: {  	[tilespmem:s16+$0xE0] =	vst v1  }
0x1f8: {  	v1 =	vld.idx.msk [tilespmem:v2+s4+$0x0], $0xffff;
	_ =	sdelay $0x4  }
0x1f9: {  	v1 =	vadd.s32 s18, v1  }
0x1fa: {  	s31 =	simm.s32 $0x0;
	[tilespmem:s16+$0xF0] =	vst v1;
	s16 =	simm.s32 $0x8280  }
0x1fb: {  	[tilespmem:s16], [sflag:$0x1] =	stream.indirect.gather [hbm4b:s1+s10], $0x1, s12, s10, $0xb8;
	[tilespmem:$0xB880] =	vst v63  }
0x1fc: {  	v1 =	vadd.s32 s31, v40;
	_ =	swait.ge [sflag:s13], $0x3400  }
0x1fd: {  	s18 =	simm.s32 $0x1;
	[sflag:s13] =	ssyncset.done $0x0  }
0x1fe: {  	v2 =	vadd.s32 s18, v40;
	[sflag:s13] =	ssyncadd.s32 $0xFFFFCC00  }
0x1ff: {  	s19 =	simm.s32 $0x2;
	v44 =	vld.idx.msk [tilespmem:v26+s11+$0x0], $0xffff  }
0x200: {  	v3 =	vadd.s32 s19, v40;
	v41 =	vld.idx.msk [tilespmem:v27+s11+$0x0], $0xffff  }
0x201: {  	s20 =	simm.s32 $0x3;
	v1 =	vld.idx.msk [tilespmem:v1+s10+$0x0], $0xffff  }
0x202: {  	v4 =	vadd.s32 s20, v40;
	v48 =	vld.idx.msk [tilespmem:v39+s11+$0x0], $0xffff  }
0x203: {  	s21 =	simm.s32 $0x4;
	v2 =	vld.idx.msk [tilespmem:v2+s10+$0x0], $0xffff  }
0x204: {  	v5 =	vadd.s32 s21, v40;
	v45 =	vld.idx.msk [tilespmem:v28+s11+$0x0], $0xffff  }
0x205: {  	s22 =	simm.s32 $0x5;
	v3 =	vld.idx.msk [tilespmem:v3+s10+$0x0], $0xffff  }
0x206: {  	v6 =	vadd.s32 s22, v40;
	v42 =	vld.idx.msk [tilespmem:v29+s11+$0x0], $0xffff;
	v1 =	vmul.f32 v1, v44  }
0x207: {  	s23 =	simm.s32 $0x6;
	v4 =	vld.idx.msk [tilespmem:v4+s10+$0x0], $0xffff  }
0x208: {  	v7 =	vadd.s32 s23, v40;
	v43 =	vld.idx.msk [tilespmem:v30+s11+$0x0], $0xffff;
	v2 =	vmul.f32 v2, v41;
	v1 =	vadd.f32 v1, v48  }
0x209: {  	s24 =	simm.s32 $0x7;
	v5 =	vld.idx.msk [tilespmem:v5+s10+$0x0], $0xffff  }
0x20a: {  	v8 =	vadd.s32 s24, v40;
	v46 =	vld.idx.msk [tilespmem:v31+s11+$0x0], $0xffff;
	v1 =	vadd.f32 v2, v1;
	v2 =	vmul.f32 v3, v45  }
0x20b: {  	s25 =	simm.s32 $0x8;
	v3 =	vld.idx.msk [tilespmem:v6+s10+$0x0], $0xffff  }
0x20c: {  	v47 =	vld.idx.msk [tilespmem:v32+s11+$0x0], $0xffff;
	v6 =	vadd.s32 s25, v40;
	v1 =	vadd.f32 v2, v1;
	v2 =	vmul.f32 v4, v42  }
0x20d: {  	v4 =	vld.idx.msk [tilespmem:v7+s10+$0x0], $0xffff  }
0x20e: {  	v49 =	vld.idx.msk [tilespmem:v33+s11+$0x0], $0xffff;
	v1 =	vadd.f32 v2, v1;
	v2 =	vmul.f32 v5, v43  }
0x20f: {  	v5 =	vld.idx.msk [tilespmem:v8+s10+$0x0], $0xffff  }
0x210: {  	s29 =	simm.s32 $0xB;
	v50 =	vld.idx.msk [tilespmem:v34+s11+$0x0], $0xffff;
	v1 =	vadd.f32 v2, v1;
	v2 =	vmul.f32 v3, v46  }
0x211: {  	v3 =	vld.idx.msk [tilespmem:v6+s10+$0x0], $0xffff;
	v6 =	vadd.s32 s29, v40  }
0x212: {  	v1 =	vadd.f32 v2, v1;
	v2 =	vmul.f32 v4, v47;
	_ =	sdelay $0x1  }
0x213: {  	v1 =	vadd.f32 v2, v1;
	v2 =	vmul.f32 v5, v49;
	_ =	sdelay $0x1  }
0x214: {  	v1 =	vadd.f32 v2, v1;
	v2 =	vmul.f32 v3, v50;
	v3 =	vld.idx.msk [tilespmem:v6+s10+$0x0], $0xffff;
	v6 =	vimm.s32 $0x1;
	_ =	sdelay $0x4  }
0x215: {  	v56 =	vld.idx.msk [tilespmem:v6+s11+$0x0], $0xffff;
	v6 =	vimm.s32 $0x2;
	_ =	sdelay $0x2  }
0x216: {  	s26 =	simm.s32 $0x9  }
0x217: {  	v7 =	vadd.s32 s26, v40  }
0x218: {  	v57 =	vld.idx.msk [tilespmem:v6+s11+$0x0], $0xffff;
	v6 =	vimm.s32 $0x3  }
0x219: {  	s28 =	simm.s32 $0xA  }
0x21a: {  	v8 =	vadd.s32 s28, v40  }
0x21b: {  	v51 =	vld.idx.msk [tilespmem:v35+s11+$0x0], $0xffff  }
0x21c: {  	v4 =	vld.idx.msk [tilespmem:v7+s10+$0x0], $0xffff  }
0x21d: {  	s30 =	simm.s32 $0xC;
	v58 =	vld.idx.msk [tilespmem:v6+s11+$0x0], $0xffff;
	v6 =	vimm.s32 $0x4  }
0x21e: {  	v52 =	vld.idx.msk [tilespmem:v36+s11+$0x0], $0xffff;
	v7 =	vadd.s32 s30, v40  }
0x21f: {  	v5 =	vld.idx.msk [tilespmem:v8+s10+$0x0], $0xffff  }
0x220: {  	v53 =	vld.idx.msk [tilespmem:v37+s11+$0x0], $0xffff  }
0x221: {  	v54 =	vld.idx.msk [tilespmem:v38+s11+$0x0], $0xffff  }
0x222: {  	v1 =	vadd.f32 v2, v1;
	v2 =	vmul.f32 v4, v51;
	v59 =	vld.idx.msk [tilespmem:v6+s11+$0x0], $0xffff;
	v6 =	vimm.s32 $0x5  }
0x223: {  	v4 =	vld.idx.msk [tilespmem:v7+s10+$0x0], $0xffff  }
0x224: {  	s31 =	simm.s32 $0x0;
	v55 =	vld.msk [tilespmem:s11+$0x0], $0xffff;
	v1 =	vadd.f32 v2, v1;
	v2 =	vmul.f32 v5, v52  }
0x225: {  	s17 =	sand.u32 $0x1F0, s31;
	v5 =	vld [tilespmem:s16+$0x0]  }
0x226: {  	v1 =	vadd.f32 v2, v1;
	v2 =	vmul.f32 v3, v53;
	v3 =	vld [tilespmem:s17+$0x8480]  }
0x227: {  	v60 =	vld.idx.msk [tilespmem:v6+s11+$0x0], $0xffff;
	v6 =	vimm.s32 $0x6  }
0x228: {  	v1 =	vadd.f32 v2, v1;
	v2 =	vmul.f32 v4, v54  }
0x229: {  	v4 =	vld [tilespmem:s17+$0x8680]  }
0x22a: {  	v1 =	vadd.f32 v2, v1;
	v2 =	vmul.f32 v5, v55  }
0x22b: {  	v5 =	vld [tilespmem:s17+$0x8880]  }
0x22c: {  	v1 =	vadd.f32 v2, v1;
	v2 =	vmul.f32 v3, v56;
	v61 =	vld.idx.msk [tilespmem:v6+s11+$0x0], $0xffff;
	v6 =	vimm.s32 $0x7  }
0x22d: {  	v3 =	vld [tilespmem:s17+$0x8A80]  }
0x22e: {  	v1 =	vadd.f32 v2, v1;
	v2 =	vmul.f32 v4, v57  }
0x22f: {  	v4 =	vld [tilespmem:s17+$0x8C80]  }
0x230: {  	v1 =	vadd.f32 v2, v1;
	v2 =	vmul.f32 v5, v58  }
0x231: {  	v62 =	vld.idx.msk [tilespmem:v6+s11+$0x0], $0xffff;
	v6 =	vimm.s32 $0x8  }
0x232: {  	v1 =	vadd.f32 v2, v1;
	v2 =	vmul.f32 v3, v59  }
0x233: {  	v5 =	vld [tilespmem:s17+$0x8E80]  }
0x234: {  	v2 =	vadd.f32 v2, v1;
	v1 =	vimm.s32 $0x9;
	v4 =	vmul.f32 v4, v60  }
0x235: {  	v3 =	vld [tilespmem:s17+$0x9080]  }
0x236: {  	v4 =	vadd.f32 v4, v2;
	v2 =	vimm.s32 $0xA;
	v63 =	vld.idx.msk [tilespmem:v6+s11+$0x0], $0xffff  }
0x237: {  	v6 =	vld [tilespmem:s17+$0x9280]  }
0x238: {  	v7 =	vld [tilespmem:s17+$0x9480];
	v5 =	vmul.f32 v5, v61  }
0x239: {  	v1 =	vld.idx.msk [tilespmem:v1+s11+$0x0], $0xffff  }
0x23a: {  	v8 =	vld [tilespmem:s17+$0x9680];
	v4 =	vadd.f32 v5, v4;
	v5 =	vmul.f32 v3, v62;
	v3 =	vimm.s32 $0xB  }
0x23b: {  	v2 =	vld.idx.msk [tilespmem:v2+s11+$0x0], $0xffff  }
0x23c: {  	v5 =	vadd.f32 v5, v4;
	v4 =	vimm.s32 $0xC;
	v6 =	vmul.f32 v6, v63;
	_ =	sdelay $0x1  }
0x23d: {  	v9 =	vld [tilespmem:s17+$0x9880];
	v7 =	vmul.f32 v7, v1;
	v6 =	vadd.f32 v6, v5;
	v5 =	vimm.s32 $0xD  }
0x23e: {  	v3 =	vld.idx.msk [tilespmem:v3+s11+$0x0], $0xffff  }
0x23f: {  	v10 =	vld [tilespmem:s17+$0x9A80];
	v8 =	vmul.f32 v8, v2;
	v7 =	vadd.f32 v7, v6;
	v6 =	vimm.s32 $0xE  }
0x240: {  	v4 =	vld.idx.msk [tilespmem:v4+s11+$0x0], $0xffff  }
0x241: {  	v11 =	vld [tilespmem:s17+$0x9C80];
	v8 =	vadd.f32 v8, v7;
	v7 =	vimm.s32 $0xF  }
0x242: {  	v5 =	vld.idx.msk [tilespmem:v5+s11+$0x0], $0xffff  }
0x243: {  	v12 =	vld [tilespmem:s17+$0x9E80];
	v9 =	vmul.f32 v9, v3  }
0x244: {  	v6 =	vld.idx.msk [tilespmem:v6+s11+$0x0], $0xffff  }
0x245: {  	v13 =	vld [tilespmem:s17+$0xA080];
	v10 =	vmul.f32 v10, v4;
	v9 =	vadd.f32 v9, v8;
	v8 =	vimm.s32 $0x10  }
0x246: {  	v7 =	vld.idx.msk [tilespmem:v7+s11+$0x0], $0xffff  }
0x247: {  	v10 =	vadd.f32 v10, v9;
	v9 =	vimm.s32 $0x11;
	v11 =	vmul.f32 v11, v5;
	_ =	sdelay $0x1  }
0x248: {  	v14 =	vld [tilespmem:s17+$0xA280];
	v11 =	vadd.f32 v11, v10;
	v12 =	vmul.f32 v12, v6;
	v10 =	vimm.s32 $0x12  }
0x249: {  	v8 =	vld.idx.msk [tilespmem:v8+s11+$0x0], $0xffff  }
0x24a: {  	v15 =	vld [tilespmem:s17+$0xA480];
	v12 =	vadd.f32 v12, v11;
	v13 =	vmul.f32 v13, v7;
	v11 =	vimm.s32 $0x13  }
0x24b: {  	v9 =	vld.idx.msk [tilespmem:v9+s11+$0x0], $0xffff  }
0x24c: {  	v16 =	vld [tilespmem:s17+$0xA680];
	v13 =	vadd.f32 v13, v12;
	v12 =	vimm.s32 $0x14  }
0x24d: {  	v10 =	vld.idx.msk [tilespmem:v10+s11+$0x0], $0xffff  }
0x24e: {  	v17 =	vld [tilespmem:s17+$0xA880];
	v14 =	vmul.f32 v14, v8  }
0x24f: {  	v11 =	vld.idx.msk [tilespmem:v11+s11+$0x0], $0xffff  }
0x250: {  	v18 =	vld [tilespmem:s17+$0xAA80];
	v14 =	vadd.f32 v14, v13;
	v15 =	vmul.f32 v15, v9;
	v13 =	vimm.s32 $0x15  }
0x251: {  	v12 =	vld.idx.msk [tilespmem:v12+s11+$0x0], $0xffff  }
0x252: {  	v15 =	vadd.f32 v15, v14;
	v14 =	vimm.s32 $0x16;
	v16 =	vmul.f32 v16, v10;
	_ =	sdelay $0x1  }
0x253: {  	v19 =	vld [tilespmem:s17+$0xAC80];
	v16 =	vadd.f32 v16, v15;
	v17 =	vmul.f32 v17, v11;
	v15 =	vimm.s32 $0x17  }
0x254: {  	v13 =	vld.idx.msk [tilespmem:v13+s11+$0x0], $0xffff  }
0x255: {  	v20 =	vld [tilespmem:s17+$0xAE80];
	v17 =	vadd.f32 v17, v16;
	v18 =	vmul.f32 v18, v12;
	v16 =	vimm.s32 $0x18  }
0x256: {  	v14 =	vld.idx.msk [tilespmem:v14+s11+$0x0], $0xffff  }
0x257: {  	v21 =	vld [tilespmem:s17+$0xB080];
	v18 =	vadd.f32 v18, v17;
	v17 =	vimm.s32 $0x19  }
0x258: {  	v15 =	vld.idx.msk [tilespmem:v15+s11+$0x0], $0xffff  }
0x259: {  	v22 =	vld [tilespmem:s17+$0xB280];
	v19 =	vmul.f32 v19, v13  }
0x25a: {  	v16 =	vld.idx.msk [tilespmem:v16+s11+$0x0], $0xffff  }
0x25b: {  	v18 =	vadd.f32 v19, v18;
	v19 =	vmul.f32 v20, v14;
	v20 =	vld [tilespmem:s17+$0xB480]  }
0x25c: {  	v17 =	vld.idx.msk [tilespmem:v17+s11+$0x0], $0xffff  }
0x25d: {  	v18 =	vadd.f32 v19, v18;
	v19 =	vmul.f32 v21, v15;
	_ =	sdelay $0x1  }
0x25e: {  	v18 =	vadd.f32 v19, v18;
	v19 =	vmul.f32 v22, v16  }
0x25f: {  	s18 =	simm.s32 $0xD0  }
0x260: {  	v21 =	vadd.s32 s18, v40;
	v18 =	vadd.f32 v19, v18;
	v19 =	vmul.f32 v20, v17  }
0x261: {  	s19 =	simm.s32 $0xD1  }
0x262: {  	v20 =	vadd.s32 s19, v40;
	v18 =	vadd.f32 v19, v18  }
0x263: {  	s20 =	simm.s32 $0xD2;
	s16 =	simm.s32 $0xB680  }
0x264: {  	v19 =	vadd.s32 s20, v40;
	[tilespmem:s16+$0x0] =	vst v18  }
0x265: {  	s21 =	simm.s32 $0xD3;
	v18 =	vld.idx.msk [tilespmem:v21+s10+$0x0], $0xffff  }
0x266: {  	v21 =	vadd.s32 s21, v40  }
0x267: {  	s22 =	simm.s32 $0xD4;
	v20 =	vld.idx.msk [tilespmem:v20+s10+$0x0], $0xffff  }
0x268: {  	v22 =	vadd.s32 s22, v40  }
0x269: {  	s23 =	simm.s32 $0xD5;
	v19 =	vld.idx.msk [tilespmem:v19+s10+$0x0], $0xffff  }
0x26a: {  	v23 =	vadd.s32 s23, v40;
	v18 =	vmul.f32 v18, v44  }
0x26b: {  	s24 =	simm.s32 $0xD6;
	v21 =	vld.idx.msk [tilespmem:v21+s10+$0x0], $0xffff  }
0x26c: {  	v24 =	vadd.s32 s24, v40;
	v20 =	vmul.f32 v20, v41;
	v18 =	vadd.f32 v18, v48  }
0x26d: {  	s25 =	simm.s32 $0xD7;
	v22 =	vld.idx.msk [tilespmem:v22+s10+$0x0], $0xffff  }
0x26e: {  	v19 =	vmul.f32 v19, v45;
	v18 =	vadd.f32 v20, v18;
	v20 =	vadd.s32 s25, v40  }
0x26f: {  	s26 =	simm.s32 $0xD8;
	v23 =	vld.idx.msk [tilespmem:v23+s10+$0x0], $0xffff  }
0x270: {  	v21 =	vmul.f32 v21, v42;
	v18 =	vadd.f32 v19, v18;
	v19 =	vadd.s32 s26, v40  }
0x271: {  	s28 =	simm.s32 $0xD9;
	v24 =	vld.idx.msk [tilespmem:v24+s10+$0x0], $0xffff  }
0x272: {  	v22 =	vmul.f32 v22, v43;
	v18 =	vadd.f32 v21, v18;
	v21 =	vadd.s32 s28, v40  }
0x273: {  	s29 =	simm.s32 $0xDA;
	v20 =	vld.idx.msk [tilespmem:v20+s10+$0x0], $0xffff  }
0x274: {  	v23 =	vmul.f32 v23, v46;
	v18 =	vadd.f32 v22, v18;
	v22 =	vadd.s32 s29, v40  }
0x275: {  	s30 =	simm.s32 $0xDB;
	v19 =	vld.idx.msk [tilespmem:v19+s10+$0x0], $0xffff  }
0x276: {  	v24 =	vmul.f32 v24, v47;
	v18 =	vadd.f32 v23, v18;
	v23 =	vadd.s32 s30, v40  }
0x277: {  	s31 =	simm.s32 $0xDC;
	v21 =	vld.idx.msk [tilespmem:v21+s10+$0x0], $0xffff  }
0x278: {  	v18 =	vadd.f32 v24, v18;
	v24 =	vadd.s32 s31, v40;
	v20 =	vmul.f32 v20, v49  }
0x279: {  	v22 =	vld.idx.msk [tilespmem:v22+s10+$0x0], $0xffff  }
0x27a: {  	v18 =	vadd.f32 v20, v18;
	v19 =	vmul.f32 v19, v50  }
0x27b: {  	v20 =	vld.idx.msk [tilespmem:v23+s10+$0x0], $0xffff  }
0x27c: {  	v18 =	vadd.f32 v19, v18;
	v19 =	vmul.f32 v21, v51  }
0x27d: {  	v21 =	vld.idx.msk [tilespmem:v24+s10+$0x0], $0xffff  }
0x27e: {  	s17 =	simm.s32 $0x8290;
	v18 =	vadd.f32 v19, v18;
	v19 =	vmul.f32 v22, v52  }
0x27f: {  	s18 =	simm.s32 $0x10;
	v22 =	vld [tilespmem:s17+$0x0]  }
0x280: {  	s20 =	sand.u32 $0x1F0, s18;
	v18 =	vadd.f32 v19, v18;
	v19 =	vmul.f32 v20, v53  }
0x281: {  	v20 =	vld [tilespmem:s20+$0x8480]  }
0x282: {  	v18 =	vadd.f32 v19, v18;
	v19 =	vmul.f32 v21, v54  }
0x283: {  	v21 =	vld [tilespmem:s20+$0x8680]  }
0x284: {  	v18 =	vadd.f32 v19, v18;
	v19 =	vmul.f32 v22, v55  }
0x285: {  	v22 =	vld [tilespmem:s20+$0x8880]  }
0x286: {  	v18 =	vadd.f32 v19, v18;
	v19 =	vmul.f32 v20, v56  }
0x287: {  	v20 =	vld [tilespmem:s20+$0x8A80]  }
0x288: {  	v18 =	vadd.f32 v19, v18;
	v19 =	vmul.f32 v21, v57  }
0x289: {  	v21 =	vld [tilespmem:s20+$0x8C80]  }
0x28a: {  	v18 =	vadd.f32 v19, v18;
	v19 =	vmul.f32 v22, v58  }
0x28b: {  	v22 =	vld [tilespmem:s20+$0x8E80]  }
0x28c: {  	v18 =	vadd.f32 v19, v18;
	v19 =	vmul.f32 v20, v59  }
0x28d: {  	v20 =	vld [tilespmem:s20+$0x9080]  }
0x28e: {  	v18 =	vadd.f32 v19, v18;
	v19 =	vmul.f32 v21, v60  }
0x28f: {  	v21 =	vld [tilespmem:s20+$0x9280]  }
0x290: {  	v18 =	vadd.f32 v19, v18;
	v19 =	vmul.f32 v22, v61  }
0x291: {  	v22 =	vld [tilespmem:s20+$0x9480]  }
0x292: {  	v18 =	vadd.f32 v19, v18;
	v19 =	vmul.f32 v20, v62  }
0x293: {  	v20 =	vld [tilespmem:s20+$0x9680]  }
0x294: {  	v18 =	vadd.f32 v19, v18;
	v19 =	vmul.f32 v21, v63  }
0x295: {  	v21 =	vld [tilespmem:s20+$0x9880]  }
0x296: {  	v18 =	vadd.f32 v19, v18;
	v19 =	vmul.f32 v22, v1  }
0x297: {  	v22 =	vld [tilespmem:s20+$0x9A80]  }
0x298: {  	v18 =	vadd.f32 v19, v18;
	v19 =	vmul.f32 v20, v2  }
0x299: {  	v20 =	vld [tilespmem:s20+$0x9C80]  }
0x29a: {  	v18 =	vadd.f32 v19, v18;
	v19 =	vmul.f32 v21, v3  }
0x29b: {  	v21 =	vld [tilespmem:s20+$0x9E80]  }
0x29c: {  	v18 =	vadd.f32 v19, v18;
	v19 =	vmul.f32 v22, v4  }
0x29d: {  	v22 =	vld [tilespmem:s20+$0xA080]  }
0x29e: {  	v18 =	vadd.f32 v19, v18;
	v19 =	vmul.f32 v20, v5  }
0x29f: {  	v20 =	vld [tilespmem:s20+$0xA280]  }
0x2a0: {  	v18 =	vadd.f32 v19, v18;
	v19 =	vmul.f32 v21, v6  }
0x2a1: {  	v21 =	vld [tilespmem:s20+$0xA480]  }
0x2a2: {  	v18 =	vadd.f32 v19, v18;
	v19 =	vmul.f32 v22, v7  }
0x2a3: {  	v22 =	vld [tilespmem:s20+$0xA680]  }
0x2a4: {  	v18 =	vadd.f32 v19, v18;
	v19 =	vmul.f32 v20, v8  }
0x2a5: {  	v20 =	vld [tilespmem:s20+$0xA880]  }
0x2a6: {  	v18 =	vadd.f32 v19, v18;
	v19 =	vmul.f32 v21, v9  }
0x2a7: {  	v21 =	vld [tilespmem:s20+$0xAA80]  }
0x2a8: {  	v18 =	vadd.f32 v19, v18;
	v19 =	vmul.f32 v22, v10  }
0x2a9: {  	v22 =	vld [tilespmem:s20+$0xAC80]  }
0x2aa: {  	v18 =	vadd.f32 v19, v18;
	v19 =	vmul.f32 v20, v11  }
0x2ab: {  	v20 =	vld [tilespmem:s20+$0xAE80]  }
0x2ac: {  	v18 =	vadd.f32 v19, v18;
	v19 =	vmul.f32 v21, v12  }
0x2ad: {  	v21 =	vld [tilespmem:s20+$0xB080]  }
0x2ae: {  	v18 =	vadd.f32 v19, v18;
	v19 =	vmul.f32 v22, v13;
	_ =	sdelay $0x1  }
0x2af: {  	v18 =	vadd.f32 v19, v18;
	v19 =	vmul.f32 v20, v14;
	_ =	sdelay $0x1  }
0x2b0: {  	v22 =	vld [tilespmem:s20+$0xB280];
	v18 =	vadd.f32 v19, v18;
	v19 =	vmul.f32 v21, v15;
	_ =	sdelay $0x1  }
0x2b1: {  	v19 =	vadd.f32 v19, v18;
	v18 =	vld [tilespmem:s20+$0xB480];
	_ =	sdelay $0x2  }
0x2b2: {  	v20 =	vmul.f32 v22, v16  }
0x2b3: {  	s19 =	simm.s32 $0x1AC;
	s21 =	simm.s32 $0x1A0;
	s20 =	simm.s32 $0x27C  }
.LBB2_4:
0x2b4: {  	p0 =	sne.s32 s20, $0x193C;
	v21 =	vadd.s32 s21, v40;
	v19 =	vadd.f32 v20, v19;
	v18 =	vmul.f32 v18, v17  }
0x2b5: {  	s21 =	sadd.s32 $0xFFFFFFF5, s19  }
0x2b6: {  	v20 =	vadd.s32 s21, v40;
	v18 =	vadd.f32 v18, v19  }
0x2b7: {  	s16 =	sadd.s32 $0x10, s16;
	s21 =	sadd.s32 $0xFFFFFFF6, s19  }
0x2b8: {  	v19 =	vadd.s32 s21, v40;
	[tilespmem:s16+$0x0] =	vst v18  }
0x2b9: {  	s21 =	sadd.s32 $0xFFFFFFF7, s19;
	v18 =	vld.idx.msk [tilespmem:v21+s10+$0x0], $0xffff  }
0x2ba: {  	v21 =	vadd.s32 s21, v40  }
0x2bb: {  	s21 =	sadd.s32 $0xFFFFFFF8, s19;
	v20 =	vld.idx.msk [tilespmem:v20+s10+$0x0], $0xffff  }
0x2bc: {  	v22 =	vadd.s32 s21, v40  }
0x2bd: {  	s21 =	sadd.s32 $0xFFFFFFF9, s19;
	v19 =	vld.idx.msk [tilespmem:v19+s10+$0x0], $0xffff  }
0x2be: {  	v23 =	vadd.s32 s21, v40  }
0x2bf: {  	s21 =	sadd.s32 $0xFFFFFFFA, s19;
	v18 =	vmul.f32 v18, v44;
	v21 =	vld.idx.msk [tilespmem:v21+s10+$0x0], $0xffff  }
0x2c0: {  	v24 =	vadd.s32 s21, v40  }
0x2c1: {  	s21 =	sadd.s32 $0xFFFFFFFB, s19;
	v18 =	vadd.f32 v18, v48;
	v20 =	vmul.f32 v20, v41;
	v22 =	vld.idx.msk [tilespmem:v22+s10+$0x0], $0xffff  }
0x2c2: {  	v25 =	vadd.s32 s21, v40  }
0x2c3: {  	s21 =	sadd.s32 $0xFFFFFFFC, s19;
	v18 =	vadd.f32 v20, v18;
	v19 =	vmul.f32 v19, v45;
	v20 =	vld.idx.msk [tilespmem:v23+s10+$0x0], $0xffff  }
0x2c4: {  	v23 =	vadd.s32 s21, v40  }
0x2c5: {  	s21 =	sadd.s32 $0xFFFFFFFD, s19;
	v18 =	vadd.f32 v19, v18;
	v19 =	vmul.f32 v21, v42;
	v21 =	vld.idx.msk [tilespmem:v24+s10+$0x0], $0xffff  }
0x2c6: {  	v24 =	vadd.s32 s21, v40  }
0x2c7: {  	s21 =	sadd.s32 $0xFFFFFFFE, s19;
	v18 =	vadd.f32 v19, v18;
	v19 =	vmul.f32 v22, v43;
	v22 =	vld.idx.msk [tilespmem:v25+s10+$0x0], $0xffff  }
0x2c8: {  	v25 =	vadd.s32 s21, v40  }
0x2c9: {  	s21 =	sadd.s32 $0xFFFFFFFF, s19;
	v18 =	vadd.f32 v19, v18;
	v19 =	vmul.f32 v20, v46;
	v20 =	vld.idx.msk [tilespmem:v23+s10+$0x0], $0xffff  }
0x2ca: {  	v23 =	vadd.s32 s21, v40  }
0x2cb: {  	v18 =	vadd.f32 v19, v18;
	v19 =	vmul.f32 v21, v47;
	v21 =	vld.idx.msk [tilespmem:v24+s10+$0x0], $0xffff  }
0x2cc: {  	v24 =	vadd.s32 s19, v40;
	s19 =	smov.u32 s20  }
0x2cd: {  	v18 =	vadd.f32 v19, v18;
	v19 =	vmul.f32 v22, v49;
	v22 =	vld.idx.msk [tilespmem:v25+s10+$0x0], $0xffff;
	_ =	sdelay $0x1  }
0x2ce: {  	v18 =	vadd.f32 v19, v18;
	v19 =	vmul.f32 v20, v50;
	v20 =	vld.idx.msk [tilespmem:v23+s10+$0x0], $0xffff;
	_ =	sdelay $0x1  }
0x2cf: {  	v18 =	vadd.f32 v19, v18;
	v19 =	vmul.f32 v21, v51;
	v21 =	vld.idx.msk [tilespmem:v24+s10+$0x0], $0xffff;
	_ =	sdelay $0x1  }
0x2d0: {  	s17 =	sadd.s32 $0x10, s17;
	v18 =	vadd.f32 v19, v18;
	v19 =	vmul.f32 v22, v52  }
0x2d1: {  	s18 =	sadd.s32 $0x10, s18;
	v22 =	vld [tilespmem:s17+$0x0]  }
0x2d2: {  	s21 =	sand.u32 $0x1F0, s18;
	v18 =	vadd.f32 v19, v18;
	v19 =	vmul.f32 v20, v53  }
0x2d3: {  	v20 =	vld [tilespmem:s21+$0x8480]  }
0x2d4: {  	v18 =	vadd.f32 v19, v18;
	v19 =	vmul.f32 v21, v54  }
0x2d5: {  	v21 =	vld [tilespmem:s21+$0x8680]  }
0x2d6: {  	v18 =	vadd.f32 v19, v18;
	v19 =	vmul.f32 v22, v55  }
0x2d7: {  	v22 =	vld [tilespmem:s21+$0x8880]  }
0x2d8: {  	v18 =	vadd.f32 v19, v18;
	v19 =	vmul.f32 v20, v56  }
0x2d9: {  	v20 =	vld [tilespmem:s21+$0x8A80]  }
0x2da: {  	v18 =	vadd.f32 v19, v18;
	v19 =	vmul.f32 v21, v57  }
0x2db: {  	v21 =	vld [tilespmem:s21+$0x8C80]  }
0x2dc: {  	v18 =	vadd.f32 v19, v18;
	v19 =	vmul.f32 v22, v58  }
0x2dd: {  	v22 =	vld [tilespmem:s21+$0x8E80]  }
0x2de: {  	v18 =	vadd.f32 v19, v18;
	v19 =	vmul.f32 v20, v59  }
0x2df: {  	v20 =	vld [tilespmem:s21+$0x9080]  }
0x2e0: {  	v18 =	vadd.f32 v19, v18;
	v19 =	vmul.f32 v21, v60  }
0x2e1: {  	v21 =	vld [tilespmem:s21+$0x9280]  }
0x2e2: {  	v18 =	vadd.f32 v19, v18;
	v19 =	vmul.f32 v22, v61  }
0x2e3: {  	v22 =	vld [tilespmem:s21+$0x9480]  }
0x2e4: {  	v18 =	vadd.f32 v19, v18;
	v19 =	vmul.f32 v20, v62  }
0x2e5: {  	v20 =	vld [tilespmem:s21+$0x9680]  }
0x2e6: {  	v18 =	vadd.f32 v19, v18;
	v19 =	vmul.f32 v21, v63  }
0x2e7: {  	v21 =	vld [tilespmem:s21+$0x9880]  }
0x2e8: {  	v18 =	vadd.f32 v19, v18;
	v19 =	vmul.f32 v22, v1  }
0x2e9: {  	v22 =	vld [tilespmem:s21+$0x9A80]  }
0x2ea: {  	v18 =	vadd.f32 v19, v18;
	v19 =	vmul.f32 v20, v2  }
0x2eb: {  	v20 =	vld [tilespmem:s21+$0x9C80]  }
0x2ec: {  	v18 =	vadd.f32 v19, v18;
	v19 =	vmul.f32 v21, v3  }
0x2ed: {  	v21 =	vld [tilespmem:s21+$0x9E80]  }
0x2ee: {  	v18 =	vadd.f32 v19, v18;
	v19 =	vmul.f32 v22, v4  }
0x2ef: {  	v22 =	vld [tilespmem:s21+$0xA080]  }
0x2f0: {  	v18 =	vadd.f32 v19, v18;
	v19 =	vmul.f32 v20, v5  }
0x2f1: {  	v20 =	vld [tilespmem:s21+$0xA280]  }
0x2f2: {  	v18 =	vadd.f32 v19, v18;
	v19 =	vmul.f32 v21, v6  }
0x2f3: {  	v21 =	vld [tilespmem:s21+$0xA480]  }
0x2f4: {  	v18 =	vadd.f32 v19, v18;
	v19 =	vmul.f32 v22, v7  }
0x2f5: {  	v22 =	vld [tilespmem:s21+$0xA680]  }
0x2f6: {  	v18 =	vadd.f32 v19, v18;
	v19 =	vmul.f32 v20, v8  }
0x2f7: {  	v20 =	vld [tilespmem:s21+$0xA880]  }
0x2f8: {  	v18 =	vadd.f32 v19, v18;
	v19 =	vmul.f32 v21, v9  }
0x2f9: {  	v21 =	vld [tilespmem:s21+$0xAA80]  }
0x2fa: {  	v18 =	vadd.f32 v19, v18;
	v19 =	vmul.f32 v22, v10  }
0x2fb: {  	v22 =	vld [tilespmem:s21+$0xAC80]  }
0x2fc: {  	v18 =	vadd.f32 v19, v18;
	v19 =	vmul.f32 v20, v11  }
0x2fd: {  	v20 =	vld [tilespmem:s21+$0xAE80]  }
0x2fe: {  	v18 =	vadd.f32 v19, v18;
	v19 =	vmul.f32 v21, v12  }
0x2ff: {  	v21 =	vld [tilespmem:s21+$0xB080]  }
0x300: {  	v18 =	vadd.f32 v19, v18;
	v19 =	vmul.f32 v22, v13  }
0x301: {  	v22 =	vld [tilespmem:s21+$0xB280]  }
0x302: {  	v19 =	vadd.f32 v19, v18;
	v20 =	vmul.f32 v20, v14  }
.Ltmp1:
0x303: {  	v18 =	vld [tilespmem:s21+$0xB480];
	(pc) =	sbr.rel @p0 .LBB2_4-.Ltmp1, $3  }
0x304: {  	v19 =	vadd.f32 v20, v19;
	v20 =	vmul.f32 v21, v15;
	_ =	sdelay $0x1  }
0x305: {  	v19 =	vadd.f32 v20, v19;
	v20 =	vmul.f32 v22, v16  }
0x306: {  	s20 =	sadd.s32 $0xD0, s20;
	s21 =	sadd.s32 $0xFFFFFFF4, s19  }
0x307: {  	v21 =	vadd.s32 s21, v40;
	v19 =	vadd.f32 v20, v19;
	v18 =	vmul.f32 v18, v17  }
0x308: {  	s20 =	sadd.s32 $0xFFFFFFF5, s19  }
0x309: {  	v20 =	vadd.s32 s20, v40;
	v18 =	vadd.f32 v18, v19  }
0x30a: {  	s31 =	sadd.s32 $0xFFFFFFF6, s19;
	s16 =	sadd.s32 $0x10, s16  }
0x30b: {  	v19 =	vadd.s32 s31, v40;
	[tilespmem:s16+$0x0] =	vst v18  }
0x30c: {  	s21 =	sadd.s32 $0xFFFFFFF7, s19;
	v18 =	vld.idx.msk [tilespmem:v21+s10+$0x0], $0xffff  }
0x30d: {  	v21 =	vadd.s32 s21, v40  }
0x30e: {  	s22 =	sadd.s32 $0xFFFFFFF8, s19;
	v20 =	vld.idx.msk [tilespmem:v20+s10+$0x0], $0xffff  }
0x30f: {  	v22 =	vadd.s32 s22, v40  }
0x310: {  	s23 =	sadd.s32 $0xFFFFFFF9, s19;
	v19 =	vld.idx.msk [tilespmem:v19+s10+$0x0], $0xffff  }
0x311: {  	v23 =	vadd.s32 s23, v40;
	v18 =	vmul.f32 v18, v44  }
0x312: {  	s24 =	sadd.s32 $0xFFFFFFFA, s19;
	v21 =	vld.idx.msk [tilespmem:v21+s10+$0x0], $0xffff  }
0x313: {  	v24 =	vadd.s32 s24, v40;
	v20 =	vmul.f32 v20, v41;
	v18 =	vadd.f32 v18, v48  }
0x314: {  	s25 =	sadd.s32 $0xFFFFFFFB, s19;
	v22 =	vld.idx.msk [tilespmem:v22+s10+$0x0], $0xffff  }
0x315: {  	v25 =	vadd.s32 s25, v40;
	v19 =	vmul.f32 v19, v45;
	v18 =	vadd.f32 v20, v18  }
0x316: {  	s26 =	sadd.s32 $0xFFFFFFFC, s19;
	v44 =	vld.idx.msk [tilespmem:v23+s10+$0x0], $0xffff  }
0x317: {  	v45 =	vadd.s32 s26, v40;
	v48 =	vmul.f32 v21, v42;
	v18 =	vadd.f32 v19, v18  }
0x318: {  	s28 =	sadd.s32 $0xFFFFFFFD, s19;
	v41 =	vld.idx.msk [tilespmem:v24+s10+$0x0], $0xffff  }
0x319: {  	v24 =	vadd.s32 s28, v40;
	v42 =	vmul.f32 v22, v43;
	v18 =	vadd.f32 v48, v18  }
0x31a: {  	s29 =	sadd.s32 $0xFFFFFFFE, s19;
	v43 =	vld.idx.msk [tilespmem:v25+s10+$0x0], $0xffff  }
0x31b: {  	v25 =	vadd.s32 s29, v40;
	v44 =	vmul.f32 v44, v46;
	v18 =	vadd.f32 v42, v18  }
0x31c: {  	s30 =	sadd.s32 $0xFFFFFFFF, s19;
	v45 =	vld.idx.msk [tilespmem:v45+s10+$0x0], $0xffff  }
0x31d: {  	v46 =	vadd.s32 s30, v40;
	v47 =	vmul.f32 v41, v47;
	v18 =	vadd.f32 v44, v18  }
0x31e: {  	v48 =	vld.idx.msk [tilespmem:v24+s10+$0x0], $0xffff  }
0x31f: {  	v24 =	vadd.s32 s19, v40;
	v41 =	vmul.f32 v43, v49;
	v18 =	vadd.f32 v47, v18  }
0x320: {  	v42 =	vld.idx.msk [tilespmem:v25+s10+$0x0], $0xffff  }
0x321: {  	v43 =	vmul.f32 v45, v50;
	v18 =	vadd.f32 v41, v18  }
0x322: {  	v44 =	vld.idx.msk [tilespmem:v46+s10+$0x0], $0xffff  }
0x323: {  	v45 =	vmul.f32 v48, v51;
	v18 =	vadd.f32 v43, v18  }
0x324: {  	v46 =	vld.idx.msk [tilespmem:v24+s10+$0x0], $0xffff  }
0x325: {  	s17 =	sadd.s32 $0x10, s17;
	v47 =	vmul.f32 v42, v52;
	v18 =	vadd.f32 v45, v18  }
0x326: {  	s31 =	sadd.s32 $0x10, s18;
	v48 =	vld [tilespmem:s17+$0x0]  }
0x327: {  	s17 =	sand.u32 $0x1F0, s31;
	v49 =	vmul.f32 v44, v53;
	v18 =	vadd.f32 v47, v18  }
0x328: {  	v50 =	vld [tilespmem:s17+$0x8480]  }
0x329: {  	v51 =	vmul.f32 v46, v54;
	v18 =	vadd.f32 v49, v18  }
0x32a: {  	v52 =	vld [tilespmem:s17+$0x8680]  }
0x32b: {  	v53 =	vmul.f32 v48, v55;
	v18 =	vadd.f32 v51, v18  }
0x32c: {  	v54 =	vld [tilespmem:s17+$0x8880]  }
0x32d: {  	v55 =	vmul.f32 v50, v56;
	v18 =	vadd.f32 v53, v18  }
0x32e: {  	v56 =	vld [tilespmem:s17+$0x8A80]  }
0x32f: {  	v57 =	vmul.f32 v52, v57;
	v18 =	vadd.f32 v55, v18  }
0x330: {  	v41 =	vld [tilespmem:s17+$0x8C80]  }
0x331: {  	v42 =	vmul.f32 v54, v58;
	v18 =	vadd.f32 v57, v18  }
0x332: {  	v43 =	vld [tilespmem:s17+$0x8E80]  }
0x333: {  	v44 =	vmul.f32 v56, v59;
	v18 =	vadd.f32 v42, v18  }
0x334: {  	v45 =	vld [tilespmem:s17+$0x9080]  }
0x335: {  	v46 =	vmul.f32 v41, v60;
	v18 =	vadd.f32 v44, v18  }
0x336: {  	v47 =	vld [tilespmem:s17+$0x9280]  }
0x337: {  	v48 =	vmul.f32 v43, v61;
	v18 =	vadd.f32 v46, v18  }
0x338: {  	v49 =	vld [tilespmem:s17+$0x9480]  }
0x339: {  	v50 =	vmul.f32 v45, v62;
	v18 =	vadd.f32 v48, v18  }
0x33a: {  	v51 =	vld [tilespmem:s17+$0x9680]  }
0x33b: {  	v52 =	vmul.f32 v47, v63;
	v18 =	vadd.f32 v50, v18  }
0x33c: {  	v53 =	vld [tilespmem:s17+$0x9880]  }
0x33d: {  	v1 =	vmul.f32 v49, v1;
	v18 =	vadd.f32 v52, v18  }
0x33e: {  	v54 =	vld [tilespmem:s17+$0x9A80]  }
0x33f: {  	v2 =	vmul.f32 v51, v2;
	v1 =	vadd.f32 v1, v18  }
0x340: {  	v55 =	vld [tilespmem:s17+$0x9C80]  }
0x341: {  	v1 =	vadd.f32 v2, v1;
	v2 =	vmul.f32 v53, v3  }
0x342: {  	v3 =	vld [tilespmem:s17+$0x9E80]  }
0x343: {  	v1 =	vadd.f32 v2, v1;
	v2 =	vmul.f32 v54, v4  }
0x344: {  	v56 =	vld [tilespmem:s17+$0xA080]  }
0x345: {  	v1 =	vadd.f32 v2, v1;
	v2 =	vmul.f32 v55, v5  }
0x346: {  	v57 =	vld [tilespmem:s17+$0xA280]  }
0x347: {  	v1 =	vadd.f32 v2, v1;
	v2 =	vmul.f32 v3, v6  }
0x348: {  	v3 =	vld [tilespmem:s17+$0xA480]  }
0x349: {  	v1 =	vadd.f32 v2, v1;
	v2 =	vmul.f32 v56, v7  }
0x34a: {  	v58 =	vld [tilespmem:s17+$0xA680]  }
0x34b: {  	v1 =	vadd.f32 v2, v1;
	v2 =	vmul.f32 v57, v8  }
0x34c: {  	v59 =	vld [tilespmem:s17+$0xA880]  }
0x34d: {  	v1 =	vadd.f32 v2, v1;
	v2 =	vmul.f32 v3, v9  }
0x34e: {  	v3 =	vld [tilespmem:s17+$0xAA80]  }
0x34f: {  	v1 =	vadd.f32 v2, v1;
	v2 =	vmul.f32 v58, v10  }
0x350: {  	v60 =	vld [tilespmem:s17+$0xAC80]  }
0x351: {  	v1 =	vadd.f32 v2, v1;
	v2 =	vmul.f32 v59, v11  }
0x352: {  	v61 =	vld [tilespmem:s17+$0xAE80]  }
0x353: {  	v1 =	vadd.f32 v2, v1;
	v2 =	vmul.f32 v3, v12  }
0x354: {  	v3 =	vld [tilespmem:s17+$0xB080]  }
0x355: {  	v1 =	vadd.f32 v2, v1;
	v2 =	vmul.f32 v60, v13  }
0x356: {  	v62 =	vld [tilespmem:s17+$0xB280]  }
0x357: {  	v1 =	vadd.f32 v2, v1;
	v2 =	vmul.f32 v61, v14  }
0x358: {  	v63 =	vld [tilespmem:s17+$0xB480]  }
0x359: {  	v1 =	vadd.f32 v2, v1;
	v2 =	vmul.f32 v3, v15;
	_ =	sdelay $0x1  }
0x35a: {  	v1 =	vadd.f32 v2, v1;
	v2 =	vmul.f32 v62, v16;
	_ =	sdelay $0x1  }
0x35b: {  	v1 =	vadd.f32 v2, v1;
	v2 =	vmul.f32 v63, v17;
	_ =	sdelay $0x1  }
0x35c: {  	s15 =	sadd.s32 $0x1, s15;
	v1 =	vadd.f32 v2, v1  }
0x35d: {  	p0 =	sne.s32 s15, s8;
	s16 =	sadd.s32 $0x10, s16  }
.Ltmp2:
0x35e: {  	[tilespmem:s16+$0x0] =	vst v1;
	(pc) =	sbr.rel @p0 .LBB2_1-.Ltmp2, $4  }
0x35f: {  	[hbm4b:s7+s4] =	stream.linear.scatter [tilespmem:s14], [sflag:$0x2], $0x200, $0x38;
	[tilespmem:$0xB880] =	vst v63  }
0x360: {  	_ =	swait.ge [sflag:s9], $0x200  }
0x361: {  	[sflag:s9] =	ssyncset.done $0x0  }
0x362: {  	[sflag:s9] =	ssyncadd.s32 $0xFFFFFE00  }
0x363: {  	_ =	sfence.sel $0x180000  }
0x364: {  	[bflag:$0x0] =	sbarrier.arrive $0xFFFF  }
0x365: {  	p0 =	sne.s32 s2, $0x0;
	_ =	strace $0x90000047  }
0x366: {  	s0 =	sadd.s32 @!p0 $0x100000, s3;
	[bflag:$0x2] =	sbarrier.arrive $0xFFFF  }
0x367: {  	[sflag:s0] =	ssyncadd.tile.s32 @!p0 $0x1;
	_ =	shalt  }
.Lfunc_end2:
_tile_overlayer_lowered:
.L_overlay_start_2:
0x368: {  	(tag) =	ssettag $0x2  }
0x369: {  	s0 =	rddreg [dreg:$0x0];
	s2 =	stileid.u32  }
0x36a: {  	s1 =	rddreg [dreg:$0x1];
	p0 =	sne.s32 s2, $0x0  }
0x36b: {  	s3 =	rddreg [dreg:$0x2];
	[bflag:$0x3] =	sbarrier.arrive $0xFFFF;
	s2 =	simm.s32 @!p0 $0x1C02  }
0x36c: {  	[timem:s3], [sflag:s2] =	dma.local @!p0 [hbm:s0], s1  }
0x36d: {  	s0 =	simm.s32 @!p0 $0x2  }
0x36e: {  	_ =	swait.ge @!p0 [sflag:s0], s1  }
0x36f: {  	s1 =	ssub.s32 @!p0 $0x0, s1;
	[sflag:s0] =	ssyncset.done @!p0 $0x0  }
0x370: {  	[sflag:s0] =	ssyncadd.s32 @!p0 s1  }
0x371: {  	[bflag:$0x3] =	sbarrier.arrive $0xFFFF  }
0x372: {  	_ =	shalt  }

</sc_bundles>
